<compile_context>
chip_gen: v7x
topology: tpu7x:2x2x1
jax: 0.10.2.dev20260603
libtpu: 0.0.44.dev20260713+nightly
codegen_flags: <defaults>
</compile_context>

<pallas_src>
import functools

import jax
import jax.numpy as jnp
from jax import lax
from jax.experimental import pallas as pl
from jax.experimental.pallas import tpu as pltpu
from jax.experimental.pallas import tpu_sc as plsc

N = 10000
E = 320000
D_IN = 128
D_OUT = 128

NC = 2
NS = 16
NW = NC * NS
CH = 120
K0 = 84
TOTCH = NW * K0
E_PAD = TOTCH * CH
NSLOT = 3
KR = 6
GA = NSLOT - 1
IA = KR - 1


def _tc_matmul(x, W, norm):
    BM = 1000

    def body(x_ref, w_ref, n_ref, o_ref):
        o_ref[...] = jnp.dot(x_ref[...], w_ref[...],
                             preferred_element_type=jnp.float32) * n_ref[...]

    return pl.pallas_call(
        body,
        grid=(N // BM,),
        in_specs=[
            pl.BlockSpec((BM, D_IN), lambda i: (i, 0)),
            pl.BlockSpec((D_IN, D_OUT), lambda i: (0, 0)),
            pl.BlockSpec((BM, 1), lambda i: (i, 0)),
        ],
        out_specs=pl.BlockSpec((BM, D_OUT), lambda i: (i, 0)),
        out_shape=jax.ShapeDtypeStruct((N, D_OUT), jnp.float32),
    )(x, W, norm)


def _sc_scatter(h2, srcw, dstw, zeros):
    mesh = plsc.VectorSubcoreMesh(core_axis_name="c", subcore_axis_name="s",
                                  num_cores=NC, num_subcores=NS)

    @functools.partial(
        pl.kernel,
        out_type=jax.ShapeDtypeStruct((NC, N, D_OUT), jnp.float32),
        mesh=mesh,
        scratch_types=[
            pltpu.VMEM((KR, CH), jnp.int32),
            pltpu.VMEM((KR, CH), jnp.int32),
            pltpu.VMEM((NSLOT, CH, D_OUT), jnp.float32),
            pltpu.VMEM_SHARED((N + 8, D_OUT), jnp.float32),
            [pltpu.SemaphoreType.DMA] * NSLOT,
            [pltpu.SemaphoreType.DMA] * NSLOT,
            [pltpu.SemaphoreType.DMA] * KR,
        ],
    )
    def k(h2_hbm, src_hbm, dst_hbm, z_hbm, part_hbm, src_v, dst_v, rows_v,
          acc, gsems, ssems, isems):
        cid = lax.axis_index("c")
        sid = lax.axis_index("s")
        myk = K0
        base = (cid * NS + sid) * K0
        RPT = 632
        LAST = N - (NS - 1) * RPT
        r0 = sid * RPT

        def each_tile_rows(fn):
            @pl.when(sid < NS - 1)
            def _():
                fn(r0, RPT)

            @pl.when(sid == NS - 1)
            def _():
                fn((NS - 1) * RPT, LAST)

        each_tile_rows(lambda o, n: pltpu.sync_copy(
            z_hbm.at[pl.ds(o, n)], acc.at[pl.ds(o, n)]))
        plsc.subcore_barrier()

        def start_idx(j, slot):
            pltpu.async_copy(src_hbm.at[base + j], src_v.at[slot],
                             isems[slot])
            pltpu.async_copy(dst_hbm.at[base + j], dst_v.at[slot],
                             isems[slot])

        def wait_idx(j, slot):
            pltpu.make_async_copy(src_hbm.at[base + j], src_v.at[slot],
                                  isems[slot]).wait()
            pltpu.make_async_copy(dst_hbm.at[base + j], dst_v.at[slot],
                                  isems[slot]).wait()

        def start_gather(rslot, islot):
            pltpu.async_copy(h2_hbm.at[src_v.at[islot]], rows_v.at[rslot],
                             gsems[rslot])

        def wait_gather(rslot, islot):
            pltpu.make_async_copy(h2_hbm.at[src_v.at[islot]],
                                  rows_v.at[rslot], gsems[rslot]).wait()

        def start_scatter(rslot, islot):
            pltpu.async_copy(rows_v.at[rslot], acc.at[dst_v.at[islot]],
                             ssems[rslot], add=True)

        def wait_scatter(rslot, islot):
            pltpu.make_async_copy(rows_v.at[rslot], acc.at[dst_v.at[islot]],
                                  ssems[rslot]).wait()

        for t in range(IA):
            start_idx(t, t)
        for t in range(GA):
            wait_idx(t, t)
            start_gather(t, t)

        def body(g, carry):
            for b in range(KR):
                j = g * KR + b
                rb = b % NSLOT

                @pl.when(j >= 1)
                def _():
                    wait_scatter((rb + NSLOT - 1) % NSLOT,
                                 (b + KR - 1) % KR)

                @pl.when(j + IA < myk)
                def _():
                    start_idx(j + IA, (b + IA) % KR)

                wait_gather(rb, b)
                start_scatter(rb, b)

                @pl.when(j + GA < myk)
                def _():
                    wait_idx(j + GA, (b + GA) % KR)
                    start_gather((rb + GA) % NSLOT, (b + GA) % KR)
            return carry

        lax.fori_loop(0, myk // KR, body, 0)
        wait_scatter((myk - 1) % NSLOT, (myk - 1) % KR)
        plsc.subcore_barrier()
        each_tile_rows(lambda o, n: pltpu.sync_copy(
            acc.at[pl.ds(o, n)], part_hbm.at[cid, pl.ds(o, n)]))

    return k(h2, srcw, dstw, zeros)


def _tc_combine(parts, norm, b2):
    BM = 1000

    def body(p_ref, n_ref, b_ref, o_ref):
        o_ref[...] = (p_ref[0] + p_ref[1]) * n_ref[...] + b_ref[...]

    return pl.pallas_call(
        body,
        grid=(N // BM,),
        in_specs=[
            pl.BlockSpec((NC, BM, D_OUT), lambda i: (0, i, 0)),
            pl.BlockSpec((BM, 1), lambda i: (i, 0)),
            pl.BlockSpec((1, D_OUT), lambda i: (0, 0)),
        ],
        out_specs=pl.BlockSpec((BM, D_OUT), lambda i: (i, 0)),
        out_shape=jax.ShapeDtypeStruct((N, D_OUT), jnp.float32),
    )(parts, norm, b2)


def kernel(x, edge_index, norm, W, b):
    srcw = jnp.concatenate(
        [edge_index[0], jnp.zeros((E_PAD - E,), jnp.int32)]).reshape(
            TOTCH, CH)
    dstw = jnp.concatenate(
        [edge_index[1], jnp.full((E_PAD - E,), N, jnp.int32)]).reshape(
            TOTCH, CH)
    h2 = _tc_matmul(x, W, norm)
    zeros = jnp.zeros((N, D_OUT), jnp.float32)
    parts = _sc_scatter(h2, srcw, dstw, zeros)
    return _tc_combine(parts, norm, b.reshape(1, D_OUT))

# --- scband reference (transcript-rebuilt; emitter-appended) ---
"""Pipeline reference for scband-gcnconv-7473243095261 (READ-ONLY COPY).

The authoritative reference and input builder live on the scoring server;
editing this copy changes nothing except your own understanding.
"""

import jax, jax.numpy as jnp
import numpy as np

N = 10000
E = 320000
D_IN = 128
D_OUT = 128


def setup_inputs(seed: int = 0) -> dict:
    key = jax.random.key(seed)
    k1, k2, k3 = jax.random.split(key, 3)
    x = jax.random.normal(k1, (N, D_IN), dtype=jnp.float32)
    edge_index = jax.random.randint(k2, (2, E), 0, N, dtype=jnp.int32)
    # symmetric GCN norm: deg^{-1/2} computed from in-degree (DGL-style ndata['norm'])
    deg = jnp.zeros((N,), dtype=jnp.float32).at[edge_index[1]].add(1.0)
    norm = (1.0 / jnp.sqrt(jnp.maximum(deg, 1.0))).reshape(N, 1)
    # glorot-uniform weight, zero bias (reset_parameters)
    a = float(np.sqrt(6.0 / (D_IN + D_OUT)))
    W = jax.random.uniform(k3, (D_IN, D_OUT), dtype=jnp.float32, minval=-a, maxval=a)
    b = jnp.zeros((D_OUT,), dtype=jnp.float32)
    return {"x": x, "edge_index": edge_index, "norm": norm, "W": W, "b": b}


def reference(x, edge_index, norm, W, b):
    # h = x @ W  (g.ndata['x'] = matmul(x, weight))
    h = jnp.matmul(x, W)
    src = edge_index[0]
    dst = edge_index[1]
    # gcn_msg: m = src['x'] * src['norm']
    m = jnp.take(h, src, axis=0) * jnp.take(norm, src, axis=0)
    # gcn_reduce: sum over mailbox, then * dst norm
    agg = jax.ops.segment_sum(m, dst, num_segments=N)
    out = agg * norm
    # bias add
    return out + b

if __name__ == "__main__":
    import jax
    _d = setup_inputs()
    print(jax.jit(kernel)(*tuple(_d.values())))

</pallas_src>

<mosaic_0001>
#map = affine_map<(d0, d1) -> (0, 0)>
#map1 = affine_map<(d0, d1) -> (0, 0, 0)>
module attributes {stable_mosaic.version = 14 : i64} {
  func.func @k(%arg0: i32, %arg1: i32, %arg2: memref<10000x128xf32, #tpu.memory_space<hbm>>, %arg3: memref<2688x120xi32, #tpu.memory_space<hbm>>, %arg4: memref<2688x120xi32, #tpu.memory_space<hbm>>, %arg5: memref<10000x128xf32, #tpu.memory_space<hbm>>, %arg6: memref<2x10000x128xf32, #tpu.memory_space<hbm>>, %arg7: memref<6x120xi32, #tpu.memory_space<vmem>>, %arg8: memref<6x120xi32, #tpu.memory_space<vmem>>, %arg9: memref<3x120x128xf32, #tpu.memory_space<vmem>>, %arg10: memref<10008x128xf32, #tpu.memory_space<vmem_shared>>, %arg11: memref<!tpu.dma_semaphore, #tpu.memory_space<semaphore_mem>>, %arg12: memref<!tpu.dma_semaphore, #tpu.memory_space<semaphore_mem>>, %arg13: memref<!tpu.dma_semaphore, #tpu.memory_space<semaphore_mem>>, %arg14: memref<!tpu.dma_semaphore, #tpu.memory_space<semaphore_mem>>, %arg15: memref<!tpu.dma_semaphore, #tpu.memory_space<semaphore_mem>>, %arg16: memref<!tpu.dma_semaphore, #tpu.memory_space<semaphore_mem>>, %arg17: memref<!tpu.dma_semaphore, #tpu.memory_space<semaphore_mem>>, %arg18: memref<!tpu.dma_semaphore, #tpu.memory_space<semaphore_mem>>, %arg19: memref<!tpu.dma_semaphore, #tpu.memory_space<semaphore_mem>>, %arg20: memref<!tpu.dma_semaphore, #tpu.memory_space<semaphore_mem>>, %arg21: memref<!tpu.dma_semaphore, #tpu.memory_space<semaphore_mem>>, %arg22: memref<!tpu.dma_semaphore, #tpu.memory_space<semaphore_mem>>) attributes {dimension_semantics = [#tpu.dimension_semantics<core_parallel>, #tpu.dimension_semantics<subcore_parallel>], iteration_bounds = array<i64: 2, 16>, scalar_prefetch = 0 : i64, scratch_operands = 16 : i64, tpu.core_type = #tpu.core_type<sc_vector_subcore>, window_params = [{transform_indices = #map}, {transform_indices = #map}, {transform_indices = #map}, {transform_indices = #map}, {transform_indices = #map1}]} {
    %mul3A = arith.constant 16 : i32
    %mul3A_0 = arith.muli %arg0, %mul3A : i32
    %add3A = arith.addi %mul3A_0, %arg1 : i32
    %mul3A_1 = arith.constant 84 : i32
    %mul3A_2 = arith.muli %add3A, %mul3A_1 : i32
    %mul3A_3 = arith.constant 632 : i32
    %mul3A_4 = arith.muli %arg1, %mul3A_3 : i32
    %lt3A = arith.constant 15 : i32
    %lt3A_5 = arith.cmpi slt, %arg1, %lt3A : i32
    %convert_element_type3A = arith.extui %lt3A_5 : i1 to i32
    %cond3A = arith.constant 0 : i32
    %cond3A_6 = arith.cmpi ne, %convert_element_type3A, %cond3A : i32
    scf.if %cond3A_6 {
      "tpu.region"() ({
        %run_scoped3A = tpu.sem_alloc : memref<!tpu.dma_semaphore, #tpu.memory_space<semaphore_mem>>
        %dma_start3A_271 = arith.constant 0 : i32
        %dma_start3A_272 = tpu.memref_slice %arg10[%mul3A_4, %dma_start3A_271] : memref<10008x128xf32, #tpu.memory_space<vmem_shared>> -> memref<632x128xf32, #tpu.memory_space<vmem_shared>>
        %dma_start3A_273 = arith.constant 0 : i32
        %dma_start3A_274 = tpu.memref_slice %arg5[%mul3A_4, %dma_start3A_273] : memref<10000x128xf32, #tpu.memory_space<hbm>> -> memref<632x128xf32, #tpu.memory_space<hbm>>
        tpu.enqueue_dma source(%dma_start3A_274 : memref<632x128xf32, #tpu.memory_space<hbm>>) target(%dma_start3A_272 : memref<632x128xf32, #tpu.memory_space<vmem_shared>>) target_semaphore(%run_scoped3A : memref<!tpu.dma_semaphore, #tpu.memory_space<semaphore_mem>>)
        %dma_wait3A_275 = arith.constant 0 : i32
        %dma_wait3A_276 = tpu.memref_slice %arg10[%mul3A_4, %dma_wait3A_275] : memref<10008x128xf32, #tpu.memory_space<vmem_shared>> -> memref<632x128xf32, #tpu.memory_space<vmem_shared>>
        %dma_wait3A_277 = arith.constant 0 : i32
        %dma_wait3A_278 = tpu.memref_slice %arg5[%mul3A_4, %dma_wait3A_277] : memref<10000x128xf32, #tpu.memory_space<hbm>> -> memref<632x128xf32, #tpu.memory_space<hbm>>
        tpu.wait_dma2 semaphore(%run_scoped3A : memref<!tpu.dma_semaphore, #tpu.memory_space<semaphore_mem>>) src(%dma_wait3A_278 : memref<632x128xf32, #tpu.memory_space<hbm>>) dst(%dma_wait3A_276 : memref<632x128xf32, #tpu.memory_space<vmem_shared>>)
        tpu.yield
      }) : () -> ()
    } else {
    }
    %eq3A = arith.constant 15 : i32
    %eq3A_7 = arith.cmpi eq, %arg1, %eq3A : i32
    %convert_element_type3A_8 = arith.extui %eq3A_7 : i1 to i32
    %cond3A_9 = arith.constant 0 : i32
    %cond3A_10 = arith.cmpi ne, %convert_element_type3A_8, %cond3A_9 : i32
    scf.if %cond3A_10 {
      "tpu.region"() ({
        %run_scoped3A = tpu.sem_alloc : memref<!tpu.dma_semaphore, #tpu.memory_space<semaphore_mem>>
        %dma_start3A_271 = arith.constant 9480 : i32
        %dma_start3A_272 = arith.constant 0 : i32
        %dma_start3A_273 = tpu.memref_slice %arg10[%dma_start3A_271, %dma_start3A_272] : memref<10008x128xf32, #tpu.memory_space<vmem_shared>> -> memref<520x128xf32, #tpu.memory_space<vmem_shared>>
        %dma_start3A_274 = arith.constant 9480 : i32
        %dma_start3A_275 = arith.constant 0 : i32
        %dma_start3A_276 = tpu.memref_slice %arg5[%dma_start3A_274, %dma_start3A_275] : memref<10000x128xf32, #tpu.memory_space<hbm>> -> memref<520x128xf32, #tpu.memory_space<hbm>>
        tpu.enqueue_dma source(%dma_start3A_276 : memref<520x128xf32, #tpu.memory_space<hbm>>) target(%dma_start3A_273 : memref<520x128xf32, #tpu.memory_space<vmem_shared>>) target_semaphore(%run_scoped3A : memref<!tpu.dma_semaphore, #tpu.memory_space<semaphore_mem>>)
        %dma_wait3A_277 = arith.constant 9480 : i32
        %dma_wait3A_278 = arith.constant 0 : i32
        %dma_wait3A_279 = tpu.memref_slice %arg10[%dma_wait3A_277, %dma_wait3A_278] : memref<10008x128xf32, #tpu.memory_space<vmem_shared>> -> memref<520x128xf32, #tpu.memory_space<vmem_shared>>
        %dma_wait3A_280 = arith.constant 9480 : i32
        %dma_wait3A_281 = arith.constant 0 : i32
        %dma_wait3A_282 = tpu.memref_slice %arg5[%dma_wait3A_280, %dma_wait3A_281] : memref<10000x128xf32, #tpu.memory_space<hbm>> -> memref<520x128xf32, #tpu.memory_space<hbm>>
        tpu.wait_dma2 semaphore(%run_scoped3A : memref<!tpu.dma_semaphore, #tpu.memory_space<semaphore_mem>>) src(%dma_wait3A_282 : memref<520x128xf32, #tpu.memory_space<hbm>>) dst(%dma_wait3A_279 : memref<520x128xf32, #tpu.memory_space<vmem_shared>>)
        tpu.yield
      }) : () -> ()
    } else {
    }
    %barrier3A = arith.constant 0 : index
    tpu.barrier barrier_id(%barrier3A)
    %add3A_11 = arith.constant 0 : i32
    %add3A_12 = arith.addi %mul3A_2, %add3A_11 : i32
    %dma_start3A = arith.constant 0 : i32
    %dma_start3A_13 = arith.constant 0 : i32
    %dma_start3A_14 = tpu.memref_slice %arg7[%dma_start3A, %dma_start3A_13] : memref<6x120xi32, #tpu.memory_space<vmem>> -> memref<1x120xi32, #tpu.memory_space<vmem>>
    %dma_start3A_15 = tpu.memref_squeeze %dma_start3A_14 : memref<1x120xi32, #tpu.memory_space<vmem>> -> memref<120xi32, #tpu.memory_space<vmem>>
    %dma_start3A_16 = arith.constant 0 : i32
    %dma_start3A_17 = tpu.memref_slice %arg3[%add3A_12, %dma_start3A_16] : memref<2688x120xi32, #tpu.memory_space<hbm>> -> memref<1x120xi32, #tpu.memory_space<hbm>>
    %dma_start3A_18 = tpu.memref_squeeze %dma_start3A_17 : memref<1x120xi32, #tpu.memory_space<hbm>> -> memref<120xi32, #tpu.memory_space<hbm>>
    %dma_start3A_19 = arith.constant 0 : i32
    %dma_start3A_20 = tpu.memref_slice %arg7[%dma_start3A, %dma_start3A_19] : memref<6x120xi32, #tpu.memory_space<vmem>> -> memref<1x120xi32, #tpu.memory_space<vmem>>
    %dma_start3A_21 = tpu.memref_squeeze %dma_start3A_20 : memref<1x120xi32, #tpu.memory_space<vmem>> -> memref<120xi32, #tpu.memory_space<vmem>>
    %dma_start3A_22 = arith.constant 0 : i32
    %dma_start3A_23 = tpu.memref_slice %arg3[%add3A_12, %dma_start3A_22] : memref<2688x120xi32, #tpu.memory_space<hbm>> -> memref<1x120xi32, #tpu.memory_space<hbm>>
    %dma_start3A_24 = tpu.memref_squeeze %dma_start3A_23 : memref<1x120xi32, #tpu.memory_space<hbm>> -> memref<120xi32, #tpu.memory_space<hbm>>
    tpu.enqueue_dma source(%dma_start3A_24 : memref<120xi32, #tpu.memory_space<hbm>>) target(%dma_start3A_21 : memref<120xi32, #tpu.memory_space<vmem>>) target_semaphore(%arg17 : memref<!tpu.dma_semaphore, #tpu.memory_space<semaphore_mem>>)
    %add3A_25 = arith.constant 0 : i32
    %add3A_26 = arith.addi %mul3A_2, %add3A_25 : i32
    %dma_start3A_27 = arith.constant 0 : i32
    %dma_start3A_28 = arith.constant 0 : i32
    %dma_start3A_29 = tpu.memref_slice %arg8[%dma_start3A_27, %dma_start3A_28] : memref<6x120xi32, #tpu.memory_space<vmem>> -> memref<1x120xi32, #tpu.memory_space<vmem>>
    %dma_start3A_30 = tpu.memref_squeeze %dma_start3A_29 : memref<1x120xi32, #tpu.memory_space<vmem>> -> memref<120xi32, #tpu.memory_space<vmem>>
    %dma_start3A_31 = arith.constant 0 : i32
    %dma_start3A_32 = tpu.memref_slice %arg4[%add3A_26, %dma_start3A_31] : memref<2688x120xi32, #tpu.memory_space<hbm>> -> memref<1x120xi32, #tpu.memory_space<hbm>>
    %dma_start3A_33 = tpu.memref_squeeze %dma_start3A_32 : memref<1x120xi32, #tpu.memory_space<hbm>> -> memref<120xi32, #tpu.memory_space<hbm>>
    %dma_start3A_34 = arith.constant 0 : i32
    %dma_start3A_35 = tpu.memref_slice %arg8[%dma_start3A_27, %dma_start3A_34] : memref<6x120xi32, #tpu.memory_space<vmem>> -> memref<1x120xi32, #tpu.memory_space<vmem>>
    %dma_start3A_36 = tpu.memref_squeeze %dma_start3A_35 : memref<1x120xi32, #tpu.memory_space<vmem>> -> memref<120xi32, #tpu.memory_space<vmem>>
    %dma_start3A_37 = arith.constant 0 : i32
    %dma_start3A_38 = tpu.memref_slice %arg4[%add3A_26, %dma_start3A_37] : memref<2688x120xi32, #tpu.memory_space<hbm>> -> memref<1x120xi32, #tpu.memory_space<hbm>>
    %dma_start3A_39 = tpu.memref_squeeze %dma_start3A_38 : memref<1x120xi32, #tpu.memory_space<hbm>> -> memref<120xi32, #tpu.memory_space<hbm>>
    tpu.enqueue_dma source(%dma_start3A_39 : memref<120xi32, #tpu.memory_space<hbm>>) target(%dma_start3A_36 : memref<120xi32, #tpu.memory_space<vmem>>) target_semaphore(%arg17 : memref<!tpu.dma_semaphore, #tpu.memory_space<semaphore_mem>>)
    %add3A_40 = arith.constant 1 : i32
    %add3A_41 = arith.addi %mul3A_2, %add3A_40 : i32
    %dma_start3A_42 = arith.constant 1 : i32
    %dma_start3A_43 = arith.constant 0 : i32
    %dma_start3A_44 = tpu.memref_slice %arg7[%dma_start3A_42, %dma_start3A_43] : memref<6x120xi32, #tpu.memory_space<vmem>> -> memref<1x120xi32, #tpu.memory_space<vmem>>
    %dma_start3A_45 = tpu.memref_squeeze %dma_start3A_44 : memref<1x120xi32, #tpu.memory_space<vmem>> -> memref<120xi32, #tpu.memory_space<vmem>>
    %dma_start3A_46 = arith.constant 0 : i32
    %dma_start3A_47 = tpu.memref_slice %arg3[%add3A_41, %dma_start3A_46] : memref<2688x120xi32, #tpu.memory_space<hbm>> -> memref<1x120xi32, #tpu.memory_space<hbm>>
    %dma_start3A_48 = tpu.memref_squeeze %dma_start3A_47 : memref<1x120xi32, #tpu.memory_space<hbm>> -> memref<120xi32, #tpu.memory_space<hbm>>
    %dma_start3A_49 = arith.constant 0 : i32
    %dma_start3A_50 = tpu.memref_slice %arg7[%dma_start3A_42, %dma_start3A_49] : memref<6x120xi32, #tpu.memory_space<vmem>> -> memref<1x120xi32, #tpu.memory_space<vmem>>
    %dma_start3A_51 = tpu.memref_squeeze %dma_start3A_50 : memref<1x120xi32, #tpu.memory_space<vmem>> -> memref<120xi32, #tpu.memory_space<vmem>>
    %dma_start3A_52 = arith.constant 0 : i32
    %dma_start3A_53 = tpu.memref_slice %arg3[%add3A_41, %dma_start3A_52] : memref<2688x120xi32, #tpu.memory_space<hbm>> -> memref<1x120xi32, #tpu.memory_space<hbm>>
    %dma_start3A_54 = tpu.memref_squeeze %dma_start3A_53 : memref<1x120xi32, #tpu.memory_space<hbm>> -> memref<120xi32, #tpu.memory_space<hbm>>
    tpu.enqueue_dma source(%dma_start3A_54 : memref<120xi32, #tpu.memory_space<hbm>>) target(%dma_start3A_51 : memref<120xi32, #tpu.memory_space<vmem>>) target_semaphore(%arg18 : memref<!tpu.dma_semaphore, #tpu.memory_space<semaphore_mem>>)
    %add3A_55 = arith.constant 1 : i32
    %add3A_56 = arith.addi %mul3A_2, %add3A_55 : i32
    %dma_start3A_57 = arith.constant 1 : i32
    %dma_start3A_58 = arith.constant 0 : i32
    %dma_start3A_59 = tpu.memref_slice %arg8[%dma_start3A_57, %dma_start3A_58] : memref<6x120xi32, #tpu.memory_space<vmem>> -> memref<1x120xi32, #tpu.memory_space<vmem>>
    %dma_start3A_60 = tpu.memref_squeeze %dma_start3A_59 : memref<1x120xi32, #tpu.memory_space<vmem>> -> memref<120xi32, #tpu.memory_space<vmem>>
    %dma_start3A_61 = arith.constant 0 : i32
    %dma_start3A_62 = tpu.memref_slice %arg4[%add3A_56, %dma_start3A_61] : memref<2688x120xi32, #tpu.memory_space<hbm>> -> memref<1x120xi32, #tpu.memory_space<hbm>>
    %dma_start3A_63 = tpu.memref_squeeze %dma_start3A_62 : memref<1x120xi32, #tpu.memory_space<hbm>> -> memref<120xi32, #tpu.memory_space<hbm>>
    %dma_start3A_64 = arith.constant 0 : i32
    %dma_start3A_65 = tpu.memref_slice %arg8[%dma_start3A_57, %dma_start3A_64] : memref<6x120xi32, #tpu.memory_space<vmem>> -> memref<1x120xi32, #tpu.memory_space<vmem>>
    %dma_start3A_66 = tpu.memref_squeeze %dma_start3A_65 : memref<1x120xi32, #tpu.memory_space<vmem>> -> memref<120xi32, #tpu.memory_space<vmem>>
    %dma_start3A_67 = arith.constant 0 : i32
    %dma_start3A_68 = tpu.memref_slice %arg4[%add3A_56, %dma_start3A_67] : memref<2688x120xi32, #tpu.memory_space<hbm>> -> memref<1x120xi32, #tpu.memory_space<hbm>>
    %dma_start3A_69 = tpu.memref_squeeze %dma_start3A_68 : memref<1x120xi32, #tpu.memory_space<hbm>> -> memref<120xi32, #tpu.memory_space<hbm>>
    tpu.enqueue_dma source(%dma_start3A_69 : memref<120xi32, #tpu.memory_space<hbm>>) target(%dma_start3A_66 : memref<120xi32, #tpu.memory_space<vmem>>) target_semaphore(%arg18 : memref<!tpu.dma_semaphore, #tpu.memory_space<semaphore_mem>>)
    %add3A_70 = arith.constant 2 : i32
    %add3A_71 = arith.addi %mul3A_2, %add3A_70 : i32
    %dma_start3A_72 = arith.constant 2 : i32
    %dma_start3A_73 = arith.constant 0 : i32
    %dma_start3A_74 = tpu.memref_slice %arg7[%dma_start3A_72, %dma_start3A_73] : memref<6x120xi32, #tpu.memory_space<vmem>> -> memref<1x120xi32, #tpu.memory_space<vmem>>
    %dma_start3A_75 = tpu.memref_squeeze %dma_start3A_74 : memref<1x120xi32, #tpu.memory_space<vmem>> -> memref<120xi32, #tpu.memory_space<vmem>>
    %dma_start3A_76 = arith.constant 0 : i32
    %dma_start3A_77 = tpu.memref_slice %arg3[%add3A_71, %dma_start3A_76] : memref<2688x120xi32, #tpu.memory_space<hbm>> -> memref<1x120xi32, #tpu.memory_space<hbm>>
    %dma_start3A_78 = tpu.memref_squeeze %dma_start3A_77 : memref<1x120xi32, #tpu.memory_space<hbm>> -> memref<120xi32, #tpu.memory_space<hbm>>
    %dma_start3A_79 = arith.constant 0 : i32
    %dma_start3A_80 = tpu.memref_slice %arg7[%dma_start3A_72, %dma_start3A_79] : memref<6x120xi32, #tpu.memory_space<vmem>> -> memref<1x120xi32, #tpu.memory_space<vmem>>
    %dma_start3A_81 = tpu.memref_squeeze %dma_start3A_80 : memref<1x120xi32, #tpu.memory_space<vmem>> -> memref<120xi32, #tpu.memory_space<vmem>>
    %dma_start3A_82 = arith.constant 0 : i32
    %dma_start3A_83 = tpu.memref_slice %arg3[%add3A_71, %dma_start3A_82] : memref<2688x120xi32, #tpu.memory_space<hbm>> -> memref<1x120xi32, #tpu.memory_space<hbm>>
    %dma_start3A_84 = tpu.memref_squeeze %dma_start3A_83 : memref<1x120xi32, #tpu.memory_space<hbm>> -> memref<120xi32, #tpu.memory_space<hbm>>
    tpu.enqueue_dma source(%dma_start3A_84 : memref<120xi32, #tpu.memory_space<hbm>>) target(%dma_start3A_81 : memref<120xi32, #tpu.memory_space<vmem>>) target_semaphore(%arg19 : memref<!tpu.dma_semaphore, #tpu.memory_space<semaphore_mem>>)
    %add3A_85 = arith.constant 2 : i32
    %add3A_86 = arith.addi %mul3A_2, %add3A_85 : i32
    %dma_start3A_87 = arith.constant 2 : i32
    %dma_start3A_88 = arith.constant 0 : i32
    %dma_start3A_89 = tpu.memref_slice %arg8[%dma_start3A_87, %dma_start3A_88] : memref<6x120xi32, #tpu.memory_space<vmem>> -> memref<1x120xi32, #tpu.memory_space<vmem>>
    %dma_start3A_90 = tpu.memref_squeeze %dma_start3A_89 : memref<1x120xi32, #tpu.memory_space<vmem>> -> memref<120xi32, #tpu.memory_space<vmem>>
    %dma_start3A_91 = arith.constant 0 : i32
    %dma_start3A_92 = tpu.memref_slice %arg4[%add3A_86, %dma_start3A_91] : memref<2688x120xi32, #tpu.memory_space<hbm>> -> memref<1x120xi32, #tpu.memory_space<hbm>>
    %dma_start3A_93 = tpu.memref_squeeze %dma_start3A_92 : memref<1x120xi32, #tpu.memory_space<hbm>> -> memref<120xi32, #tpu.memory_space<hbm>>
    %dma_start3A_94 = arith.constant 0 : i32
    %dma_start3A_95 = tpu.memref_slice %arg8[%dma_start3A_87, %dma_start3A_94] : memref<6x120xi32, #tpu.memory_space<vmem>> -> memref<1x120xi32, #tpu.memory_space<vmem>>
    %dma_start3A_96 = tpu.memref_squeeze %dma_start3A_95 : memref<1x120xi32, #tpu.memory_space<vmem>> -> memref<120xi32, #tpu.memory_space<vmem>>
    %dma_start3A_97 = arith.constant 0 : i32
    %dma_start3A_98 = tpu.memref_slice %arg4[%add3A_86, %dma_start3A_97] : memref<2688x120xi32, #tpu.memory_space<hbm>> -> memref<1x120xi32, #tpu.memory_space<hbm>>
    %dma_start3A_99 = tpu.memref_squeeze %dma_start3A_98 : memref<1x120xi32, #tpu.memory_space<hbm>> -> memref<120xi32, #tpu.memory_space<hbm>>
    tpu.enqueue_dma source(%dma_start3A_99 : memref<120xi32, #tpu.memory_space<hbm>>) target(%dma_start3A_96 : memref<120xi32, #tpu.memory_space<vmem>>) target_semaphore(%arg19 : memref<!tpu.dma_semaphore, #tpu.memory_space<semaphore_mem>>)
    %add3A_100 = arith.constant 3 : i32
    %add3A_101 = arith.addi %mul3A_2, %add3A_100 : i32
    %dma_start3A_102 = arith.constant 3 : i32
    %dma_start3A_103 = arith.constant 0 : i32
    %dma_start3A_104 = tpu.memref_slice %arg7[%dma_start3A_102, %dma_start3A_103] : memref<6x120xi32, #tpu.memory_space<vmem>> -> memref<1x120xi32, #tpu.memory_space<vmem>>
    %dma_start3A_105 = tpu.memref_squeeze %dma_start3A_104 : memref<1x120xi32, #tpu.memory_space<vmem>> -> memref<120xi32, #tpu.memory_space<vmem>>
    %dma_start3A_106 = arith.constant 0 : i32
    %dma_start3A_107 = tpu.memref_slice %arg3[%add3A_101, %dma_start3A_106] : memref<2688x120xi32, #tpu.memory_space<hbm>> -> memref<1x120xi32, #tpu.memory_space<hbm>>
    %dma_start3A_108 = tpu.memref_squeeze %dma_start3A_107 : memref<1x120xi32, #tpu.memory_space<hbm>> -> memref<120xi32, #tpu.memory_space<hbm>>
    %dma_start3A_109 = arith.constant 0 : i32
    %dma_start3A_110 = tpu.memref_slice %arg7[%dma_start3A_102, %dma_start3A_109] : memref<6x120xi32, #tpu.memory_space<vmem>> -> memref<1x120xi32, #tpu.memory_space<vmem>>
    %dma_start3A_111 = tpu.memref_squeeze %dma_start3A_110 : memref<1x120xi32, #tpu.memory_space<vmem>> -> memref<120xi32, #tpu.memory_space<vmem>>
    %dma_start3A_112 = arith.constant 0 : i32
    %dma_start3A_113 = tpu.memref_slice %arg3[%add3A_101, %dma_start3A_112] : memref<2688x120xi32, #tpu.memory_space<hbm>> -> memref<1x120xi32, #tpu.memory_space<hbm>>
    %dma_start3A_114 = tpu.memref_squeeze %dma_start3A_113 : memref<1x120xi32, #tpu.memory_space<hbm>> -> memref<120xi32, #tpu.memory_space<hbm>>
    tpu.enqueue_dma source(%dma_start3A_114 : memref<120xi32, #tpu.memory_space<hbm>>) target(%dma_start3A_111 : memref<120xi32, #tpu.memory_space<vmem>>) target_semaphore(%arg20 : memref<!tpu.dma_semaphore, #tpu.memory_space<semaphore_mem>>)
    %add3A_115 = arith.constant 3 : i32
    %add3A_116 = arith.addi %mul3A_2, %add3A_115 : i32
    %dma_start3A_117 = arith.constant 3 : i32
    %dma_start3A_118 = arith.constant 0 : i32
    %dma_start3A_119 = tpu.memref_slice %arg8[%dma_start3A_117, %dma_start3A_118] : memref<6x120xi32, #tpu.memory_space<vmem>> -> memref<1x120xi32, #tpu.memory_space<vmem>>
    %dma_start3A_120 = tpu.memref_squeeze %dma_start3A_119 : memref<1x120xi32, #tpu.memory_space<vmem>> -> memref<120xi32, #tpu.memory_space<vmem>>
    %dma_start3A_121 = arith.constant 0 : i32
    %dma_start3A_122 = tpu.memref_slice %arg4[%add3A_116, %dma_start3A_121] : memref<2688x120xi32, #tpu.memory_space<hbm>> -> memref<1x120xi32, #tpu.memory_space<hbm>>
    %dma_start3A_123 = tpu.memref_squeeze %dma_start3A_122 : memref<1x120xi32, #tpu.memory_space<hbm>> -> memref<120xi32, #tpu.memory_space<hbm>>
    %dma_start3A_124 = arith.constant 0 : i32
    %dma_start3A_125 = tpu.memref_slice %arg8[%dma_start3A_117, %dma_start3A_124] : memref<6x120xi32, #tpu.memory_space<vmem>> -> memref<1x120xi32, #tpu.memory_space<vmem>>
    %dma_start3A_126 = tpu.memref_squeeze %dma_start3A_125 : memref<1x120xi32, #tpu.memory_space<vmem>> -> memref<120xi32, #tpu.memory_space<vmem>>
    %dma_start3A_127 = arith.constant 0 : i32
    %dma_start3A_128 = tpu.memref_slice %arg4[%add3A_116, %dma_start3A_127] : memref<2688x120xi32, #tpu.memory_space<hbm>> -> memref<1x120xi32, #tpu.memory_space<hbm>>
    %dma_start3A_129 = tpu.memref_squeeze %dma_start3A_128 : memref<1x120xi32, #tpu.memory_space<hbm>> -> memref<120xi32, #tpu.memory_space<hbm>>
    tpu.enqueue_dma source(%dma_start3A_129 : memref<120xi32, #tpu.memory_space<hbm>>) target(%dma_start3A_126 : memref<120xi32, #tpu.memory_space<vmem>>) target_semaphore(%arg20 : memref<!tpu.dma_semaphore, #tpu.memory_space<semaphore_mem>>)
    %add3A_130 = arith.constant 4 : i32
    %add3A_131 = arith.addi %mul3A_2, %add3A_130 : i32
    %dma_start3A_132 = arith.constant 4 : i32
    %dma_start3A_133 = arith.constant 0 : i32
    %dma_start3A_134 = tpu.memref_slice %arg7[%dma_start3A_132, %dma_start3A_133] : memref<6x120xi32, #tpu.memory_space<vmem>> -> memref<1x120xi32, #tpu.memory_space<vmem>>
    %dma_start3A_135 = tpu.memref_squeeze %dma_start3A_134 : memref<1x120xi32, #tpu.memory_space<vmem>> -> memref<120xi32, #tpu.memory_space<vmem>>
    %dma_start3A_136 = arith.constant 0 : i32
    %dma_start3A_137 = tpu.memref_slice %arg3[%add3A_131, %dma_start3A_136] : memref<2688x120xi32, #tpu.memory_space<hbm>> -> memref<1x120xi32, #tpu.memory_space<hbm>>
    %dma_start3A_138 = tpu.memref_squeeze %dma_start3A_137 : memref<1x120xi32, #tpu.memory_space<hbm>> -> memref<120xi32, #tpu.memory_space<hbm>>
    %dma_start3A_139 = arith.constant 0 : i32
    %dma_start3A_140 = tpu.memref_slice %arg7[%dma_start3A_132, %dma_start3A_139] : memref<6x120xi32, #tpu.memory_space<vmem>> -> memref<1x120xi32, #tpu.memory_space<vmem>>
    %dma_start3A_141 = tpu.memref_squeeze %dma_start3A_140 : memref<1x120xi32, #tpu.memory_space<vmem>> -> memref<120xi32, #tpu.memory_space<vmem>>
    %dma_start3A_142 = arith.constant 0 : i32
    %dma_start3A_143 = tpu.memref_slice %arg3[%add3A_131, %dma_start3A_142] : memref<2688x120xi32, #tpu.memory_space<hbm>> -> memref<1x120xi32, #tpu.memory_space<hbm>>
    %dma_start3A_144 = tpu.memref_squeeze %dma_start3A_143 : memref<1x120xi32, #tpu.memory_space<hbm>> -> memref<120xi32, #tpu.memory_space<hbm>>
    tpu.enqueue_dma source(%dma_start3A_144 : memref<120xi32, #tpu.memory_space<hbm>>) target(%dma_start3A_141 : memref<120xi32, #tpu.memory_space<vmem>>) target_semaphore(%arg21 : memref<!tpu.dma_semaphore, #tpu.memory_space<semaphore_mem>>)
    %add3A_145 = arith.constant 4 : i32
    %add3A_146 = arith.addi %mul3A_2, %add3A_145 : i32
    %dma_start3A_147 = arith.constant 4 : i32
    %dma_start3A_148 = arith.constant 0 : i32
    %dma_start3A_149 = tpu.memref_slice %arg8[%dma_start3A_147, %dma_start3A_148] : memref<6x120xi32, #tpu.memory_space<vmem>> -> memref<1x120xi32, #tpu.memory_space<vmem>>
    %dma_start3A_150 = tpu.memref_squeeze %dma_start3A_149 : memref<1x120xi32, #tpu.memory_space<vmem>> -> memref<120xi32, #tpu.memory_space<vmem>>
    %dma_start3A_151 = arith.constant 0 : i32
    %dma_start3A_152 = tpu.memref_slice %arg4[%add3A_146, %dma_start3A_151] : memref<2688x120xi32, #tpu.memory_space<hbm>> -> memref<1x120xi32, #tpu.memory_space<hbm>>
    %dma_start3A_153 = tpu.memref_squeeze %dma_start3A_152 : memref<1x120xi32, #tpu.memory_space<hbm>> -> memref<120xi32, #tpu.memory_space<hbm>>
    %dma_start3A_154 = arith.constant 0 : i32
    %dma_start3A_155 = tpu.memref_slice %arg8[%dma_start3A_147, %dma_start3A_154] : memref<6x120xi32, #tpu.memory_space<vmem>> -> memref<1x120xi32, #tpu.memory_space<vmem>>
    %dma_start3A_156 = tpu.memref_squeeze %dma_start3A_155 : memref<1x120xi32, #tpu.memory_space<vmem>> -> memref<120xi32, #tpu.memory_space<vmem>>
    %dma_start3A_157 = arith.constant 0 : i32
    %dma_start3A_158 = tpu.memref_slice %arg4[%add3A_146, %dma_start3A_157] : memref<2688x120xi32, #tpu.memory_space<hbm>> -> memref<1x120xi32, #tpu.memory_space<hbm>>
    %dma_start3A_159 = tpu.memref_squeeze %dma_start3A_158 : memref<1x120xi32, #tpu.memory_space<hbm>> -> memref<120xi32, #tpu.memory_space<hbm>>
    tpu.enqueue_dma source(%dma_start3A_159 : memref<120xi32, #tpu.memory_space<hbm>>) target(%dma_start3A_156 : memref<120xi32, #tpu.memory_space<vmem>>) target_semaphore(%arg21 : memref<!tpu.dma_semaphore, #tpu.memory_space<semaphore_mem>>)
    %add3A_160 = arith.constant 0 : i32
    %add3A_161 = arith.addi %mul3A_2, %add3A_160 : i32
    %dma_wait3A = arith.constant 0 : i32
    %dma_wait3A_162 = arith.constant 0 : i32
    %dma_wait3A_163 = tpu.memref_slice %arg7[%dma_wait3A, %dma_wait3A_162] : memref<6x120xi32, #tpu.memory_space<vmem>> -> memref<1x120xi32, #tpu.memory_space<vmem>>
    %dma_wait3A_164 = tpu.memref_squeeze %dma_wait3A_163 : memref<1x120xi32, #tpu.memory_space<vmem>> -> memref<120xi32, #tpu.memory_space<vmem>>
    %dma_wait3A_165 = arith.constant 0 : i32
    %dma_wait3A_166 = tpu.memref_slice %arg3[%add3A_161, %dma_wait3A_165] : memref<2688x120xi32, #tpu.memory_space<hbm>> -> memref<1x120xi32, #tpu.memory_space<hbm>>
    %dma_wait3A_167 = tpu.memref_squeeze %dma_wait3A_166 : memref<1x120xi32, #tpu.memory_space<hbm>> -> memref<120xi32, #tpu.memory_space<hbm>>
    %dma_wait3A_168 = arith.constant 0 : i32
    %dma_wait3A_169 = tpu.memref_slice %arg7[%dma_wait3A, %dma_wait3A_168] : memref<6x120xi32, #tpu.memory_space<vmem>> -> memref<1x120xi32, #tpu.memory_space<vmem>>
    %dma_wait3A_170 = tpu.memref_squeeze %dma_wait3A_169 : memref<1x120xi32, #tpu.memory_space<vmem>> -> memref<120xi32, #tpu.memory_space<vmem>>
    %dma_wait3A_171 = arith.constant 0 : i32
    %dma_wait3A_172 = tpu.memref_slice %arg3[%add3A_161, %dma_wait3A_171] : memref<2688x120xi32, #tpu.memory_space<hbm>> -> memref<1x120xi32, #tpu.memory_space<hbm>>
    %dma_wait3A_173 = tpu.memref_squeeze %dma_wait3A_172 : memref<1x120xi32, #tpu.memory_space<hbm>> -> memref<120xi32, #tpu.memory_space<hbm>>
    tpu.wait_dma2 semaphore(%arg17 : memref<!tpu.dma_semaphore, #tpu.memory_space<semaphore_mem>>) src(%dma_wait3A_173 : memref<120xi32, #tpu.memory_space<hbm>>) dst(%dma_wait3A_170 : memref<120xi32, #tpu.memory_space<vmem>>)
    %add3A_174 = arith.constant 0 : i32
    %add3A_175 = arith.addi %mul3A_2, %add3A_174 : i32
    %dma_wait3A_176 = arith.constant 0 : i32
    %dma_wait3A_177 = arith.constant 0 : i32
    %dma_wait3A_178 = tpu.memref_slice %arg8[%dma_wait3A_176, %dma_wait3A_177] : memref<6x120xi32, #tpu.memory_space<vmem>> -> memref<1x120xi32, #tpu.memory_space<vmem>>
    %dma_wait3A_179 = tpu.memref_squeeze %dma_wait3A_178 : memref<1x120xi32, #tpu.memory_space<vmem>> -> memref<120xi32, #tpu.memory_space<vmem>>
    %dma_wait3A_180 = arith.constant 0 : i32
    %dma_wait3A_181 = tpu.memref_slice %arg4[%add3A_175, %dma_wait3A_180] : memref<2688x120xi32, #tpu.memory_space<hbm>> -> memref<1x120xi32, #tpu.memory_space<hbm>>
    %dma_wait3A_182 = tpu.memref_squeeze %dma_wait3A_181 : memref<1x120xi32, #tpu.memory_space<hbm>> -> memref<120xi32, #tpu.memory_space<hbm>>
    %dma_wait3A_183 = arith.constant 0 : i32
    %dma_wait3A_184 = tpu.memref_slice %arg8[%dma_wait3A_176, %dma_wait3A_183] : memref<6x120xi32, #tpu.memory_space<vmem>> -> memref<1x120xi32, #tpu.memory_space<vmem>>
    %dma_wait3A_185 = tpu.memref_squeeze %dma_wait3A_184 : memref<1x120xi32, #tpu.memory_space<vmem>> -> memref<120xi32, #tpu.memory_space<vmem>>
    %dma_wait3A_186 = arith.constant 0 : i32
    %dma_wait3A_187 = tpu.memref_slice %arg4[%add3A_175, %dma_wait3A_186] : memref<2688x120xi32, #tpu.memory_space<hbm>> -> memref<1x120xi32, #tpu.memory_space<hbm>>
    %dma_wait3A_188 = tpu.memref_squeeze %dma_wait3A_187 : memref<1x120xi32, #tpu.memory_space<hbm>> -> memref<120xi32, #tpu.memory_space<hbm>>
    tpu.wait_dma2 semaphore(%arg17 : memref<!tpu.dma_semaphore, #tpu.memory_space<semaphore_mem>>) src(%dma_wait3A_188 : memref<120xi32, #tpu.memory_space<hbm>>) dst(%dma_wait3A_185 : memref<120xi32, #tpu.memory_space<vmem>>)
    %dma_start3A_189 = arith.constant 0 : i32
    %dma_start3A_190 = arith.constant 0 : i32
    %dma_start3A_191 = arith.constant 0 : i32
    %dma_start3A_192 = arith.constant 0 : i32
    %dma_start3A_193 = tpu.memref_slice %arg9[%dma_start3A_190, %dma_start3A_191, %dma_start3A_192] : memref<3x120x128xf32, #tpu.memory_space<vmem>> -> memref<1x120x128xf32, #tpu.memory_space<vmem>>
    %dma_start3A_194 = tpu.memref_squeeze %dma_start3A_193 : memref<1x120x128xf32, #tpu.memory_space<vmem>> -> memref<120x128xf32, #tpu.memory_space<vmem>>
    %dma_start3A_195 = arith.constant 0 : i32
    %dma_start3A_196 = tpu.memref_slice %arg7[%dma_start3A_189, %dma_start3A_195] : memref<6x120xi32, #tpu.memory_space<vmem>> -> memref<1x120xi32, #tpu.memory_space<vmem>>
    %dma_start3A_197 = tpu.memref_squeeze %dma_start3A_196 : memref<1x120xi32, #tpu.memory_space<vmem>> -> memref<120xi32, #tpu.memory_space<vmem>>
    %dma_start3A_198 = arith.constant 0 : i32
    %dma_start3A_199 = arith.constant 0 : i32
    %dma_start3A_200 = tpu.memref_slice %arg2[%dma_start3A_198, %dma_start3A_199] : memref<10000x128xf32, #tpu.memory_space<hbm>> -> memref<10000x128xf32, #tpu.memory_space<hbm>>
    tpu.enqueue_indirect_dma source(%dma_start3A_200 : memref<10000x128xf32, #tpu.memory_space<hbm>>) target(%dma_start3A_194 : memref<120x128xf32, #tpu.memory_space<vmem>>) offsets(%dma_start3A_197 : memref<120xi32, #tpu.memory_space<vmem>>) semaphore(%arg11 : memref<!tpu.dma_semaphore, #tpu.memory_space<semaphore_mem>>)
    %add3A_201 = arith.constant 1 : i32
    %add3A_202 = arith.addi %mul3A_2, %add3A_201 : i32
    %dma_wait3A_203 = arith.constant 1 : i32
    %dma_wait3A_204 = arith.constant 0 : i32
    %dma_wait3A_205 = tpu.memref_slice %arg7[%dma_wait3A_203, %dma_wait3A_204] : memref<6x120xi32, #tpu.memory_space<vmem>> -> memref<1x120xi32, #tpu.memory_space<vmem>>
    %dma_wait3A_206 = tpu.memref_squeeze %dma_wait3A_205 : memref<1x120xi32, #tpu.memory_space<vmem>> -> memref<120xi32, #tpu.memory_space<vmem>>
    %dma_wait3A_207 = arith.constant 0 : i32
    %dma_wait3A_208 = tpu.memref_slice %arg3[%add3A_202, %dma_wait3A_207] : memref<2688x120xi32, #tpu.memory_space<hbm>> -> memref<1x120xi32, #tpu.memory_space<hbm>>
    %dma_wait3A_209 = tpu.memref_squeeze %dma_wait3A_208 : memref<1x120xi32, #tpu.memory_space<hbm>> -> memref<120xi32, #tpu.memory_space<hbm>>
    %dma_wait3A_210 = arith.constant 0 : i32
    %dma_wait3A_211 = tpu.memref_slice %arg7[%dma_wait3A_203, %dma_wait3A_210] : memref<6x120xi32, #tpu.memory_space<vmem>> -> memref<1x120xi32, #tpu.memory_space<vmem>>
    %dma_wait3A_212 = tpu.memref_squeeze %dma_wait3A_211 : memref<1x120xi32, #tpu.memory_space<vmem>> -> memref<120xi32, #tpu.memory_space<vmem>>
    %dma_wait3A_213 = arith.constant 0 : i32
    %dma_wait3A_214 = tpu.memref_slice %arg3[%add3A_202, %dma_wait3A_213] : memref<2688x120xi32, #tpu.memory_space<hbm>> -> memref<1x120xi32, #tpu.memory_space<hbm>>
    %dma_wait3A_215 = tpu.memref_squeeze %dma_wait3A_214 : memref<1x120xi32, #tpu.memory_space<hbm>> -> memref<120xi32, #tpu.memory_space<hbm>>
    tpu.wait_dma2 semaphore(%arg18 : memref<!tpu.dma_semaphore, #tpu.memory_space<semaphore_mem>>) src(%dma_wait3A_215 : memref<120xi32, #tpu.memory_space<hbm>>) dst(%dma_wait3A_212 : memref<120xi32, #tpu.memory_space<vmem>>)
    %add3A_216 = arith.constant 1 : i32
    %add3A_217 = arith.addi %mul3A_2, %add3A_216 : i32
    %dma_wait3A_218 = arith.constant 1 : i32
    %dma_wait3A_219 = arith.constant 0 : i32
    %dma_wait3A_220 = tpu.memref_slice %arg8[%dma_wait3A_218, %dma_wait3A_219] : memref<6x120xi32, #tpu.memory_space<vmem>> -> memref<1x120xi32, #tpu.memory_space<vmem>>
    %dma_wait3A_221 = tpu.memref_squeeze %dma_wait3A_220 : memref<1x120xi32, #tpu.memory_space<vmem>> -> memref<120xi32, #tpu.memory_space<vmem>>
    %dma_wait3A_222 = arith.constant 0 : i32
    %dma_wait3A_223 = tpu.memref_slice %arg4[%add3A_217, %dma_wait3A_222] : memref<2688x120xi32, #tpu.memory_space<hbm>> -> memref<1x120xi32, #tpu.memory_space<hbm>>
    %dma_wait3A_224 = tpu.memref_squeeze %dma_wait3A_223 : memref<1x120xi32, #tpu.memory_space<hbm>> -> memref<120xi32, #tpu.memory_space<hbm>>
    %dma_wait3A_225 = arith.constant 0 : i32
    %dma_wait3A_226 = tpu.memref_slice %arg8[%dma_wait3A_218, %dma_wait3A_225] : memref<6x120xi32, #tpu.memory_space<vmem>> -> memref<1x120xi32, #tpu.memory_space<vmem>>
    %dma_wait3A_227 = tpu.memref_squeeze %dma_wait3A_226 : memref<1x120xi32, #tpu.memory_space<vmem>> -> memref<120xi32, #tpu.memory_space<vmem>>
    %dma_wait3A_228 = arith.constant 0 : i32
    %dma_wait3A_229 = tpu.memref_slice %arg4[%add3A_217, %dma_wait3A_228] : memref<2688x120xi32, #tpu.memory_space<hbm>> -> memref<1x120xi32, #tpu.memory_space<hbm>>
    %dma_wait3A_230 = tpu.memref_squeeze %dma_wait3A_229 : memref<1x120xi32, #tpu.memory_space<hbm>> -> memref<120xi32, #tpu.memory_space<hbm>>
    tpu.wait_dma2 semaphore(%arg18 : memref<!tpu.dma_semaphore, #tpu.memory_space<semaphore_mem>>) src(%dma_wait3A_230 : memref<120xi32, #tpu.memory_space<hbm>>) dst(%dma_wait3A_227 : memref<120xi32, #tpu.memory_space<vmem>>)
    %dma_start3A_231 = arith.constant 1 : i32
    %dma_start3A_232 = arith.constant 1 : i32
    %dma_start3A_233 = arith.constant 0 : i32
    %dma_start3A_234 = arith.constant 0 : i32
    %dma_start3A_235 = tpu.memref_slice %arg9[%dma_start3A_232, %dma_start3A_233, %dma_start3A_234] : memref<3x120x128xf32, #tpu.memory_space<vmem>> -> memref<1x120x128xf32, #tpu.memory_space<vmem>>
    %dma_start3A_236 = tpu.memref_squeeze %dma_start3A_235 : memref<1x120x128xf32, #tpu.memory_space<vmem>> -> memref<120x128xf32, #tpu.memory_space<vmem>>
    %dma_start3A_237 = arith.constant 0 : i32
    %dma_start3A_238 = tpu.memref_slice %arg7[%dma_start3A_231, %dma_start3A_237] : memref<6x120xi32, #tpu.memory_space<vmem>> -> memref<1x120xi32, #tpu.memory_space<vmem>>
    %dma_start3A_239 = tpu.memref_squeeze %dma_start3A_238 : memref<1x120xi32, #tpu.memory_space<vmem>> -> memref<120xi32, #tpu.memory_space<vmem>>
    %dma_start3A_240 = arith.constant 0 : i32
    %dma_start3A_241 = arith.constant 0 : i32
    %dma_start3A_242 = tpu.memref_slice %arg2[%dma_start3A_240, %dma_start3A_241] : memref<10000x128xf32, #tpu.memory_space<hbm>> -> memref<10000x128xf32, #tpu.memory_space<hbm>>
    tpu.enqueue_indirect_dma source(%dma_start3A_242 : memref<10000x128xf32, #tpu.memory_space<hbm>>) target(%dma_start3A_236 : memref<120x128xf32, #tpu.memory_space<vmem>>) offsets(%dma_start3A_239 : memref<120xi32, #tpu.memory_space<vmem>>) semaphore(%arg12 : memref<!tpu.dma_semaphore, #tpu.memory_space<semaphore_mem>>)
    %scan3A = arith.constant 0 : i32
    %scan3A_243 = arith.constant 0 : i32
    %scan3A_244 = arith.constant 14 : i32
    %scan3A_245 = arith.addi %scan3A_243, %scan3A_244 : i32
    %scan3A_246 = arith.constant 1 : i32
    scf.for %scan3A_271 = %scan3A_243 to %scan3A_245 step %scan3A_246  : i32 {
      %mul3A_272 = arith.constant 6 : i32
      %mul3A_273 = arith.muli %scan3A_271, %mul3A_272 : i32
      %add3A_274 = arith.constant 0 : i32
      %add3A_275 = arith.addi %mul3A_273, %add3A_274 : i32
      %ge3A = arith.constant 1 : i32
      %ge3A_276 = arith.cmpi sge, %add3A_275, %ge3A : i32
      %convert_element_type3A_277 = arith.extui %ge3A_276 : i1 to i32
      %cond3A_278 = arith.constant 0 : i32
      %cond3A_279 = arith.cmpi ne, %convert_element_type3A_277, %cond3A_278 : i32
      scf.if %cond3A_279 {
        %dma_wait3A_553 = arith.constant 2 : i32
        %dma_wait3A_554 = arith.constant 5 : i32
        %dma_wait3A_555 = arith.constant 0 : i32
        %dma_wait3A_556 = arith.constant 0 : i32
        %dma_wait3A_557 = tpu.memref_slice %arg9[%dma_wait3A_553, %dma_wait3A_555, %dma_wait3A_556] : memref<3x120x128xf32, #tpu.memory_space<vmem>> -> memref<1x120x128xf32, #tpu.memory_space<vmem>>
        %dma_wait3A_558 = tpu.memref_squeeze %dma_wait3A_557 : memref<1x120x128xf32, #tpu.memory_space<vmem>> -> memref<120x128xf32, #tpu.memory_space<vmem>>
        %dma_wait3A_559 = arith.constant 0 : i32
        %dma_wait3A_560 = tpu.memref_slice %arg8[%dma_wait3A_554, %dma_wait3A_559] : memref<6x120xi32, #tpu.memory_space<vmem>> -> memref<1x120xi32, #tpu.memory_space<vmem>>
        %dma_wait3A_561 = tpu.memref_squeeze %dma_wait3A_560 : memref<1x120xi32, #tpu.memory_space<vmem>> -> memref<120xi32, #tpu.memory_space<vmem>>
        %dma_wait3A_562 = arith.constant 0 : i32
        %dma_wait3A_563 = arith.constant 0 : i32
        %dma_wait3A_564 = tpu.memref_slice %arg10[%dma_wait3A_562, %dma_wait3A_563] : memref<10008x128xf32, #tpu.memory_space<vmem_shared>> -> memref<10008x128xf32, #tpu.memory_space<vmem_shared>>
        tpu.wait_indirect_dma semaphore(%arg16 : memref<!tpu.dma_semaphore, #tpu.memory_space<semaphore_mem>>) src(%dma_wait3A_558 : memref<120x128xf32, #tpu.memory_space<vmem>>) dst(%dma_wait3A_564 : memref<10008x128xf32, #tpu.memory_space<vmem_shared>>)
      } else {
      }
      %add3A_280 = arith.constant 5 : i32
      %add3A_281 = arith.addi %add3A_275, %add3A_280 : i32
      %lt3A_282 = arith.constant 84 : i32
      %lt3A_283 = arith.cmpi slt, %add3A_281, %lt3A_282 : i32
      %convert_element_type3A_284 = arith.extui %lt3A_283 : i1 to i32
      %cond3A_285 = arith.constant 0 : i32
      %cond3A_286 = arith.cmpi ne, %convert_element_type3A_284, %cond3A_285 : i32
      scf.if %cond3A_286 {
        %add3A_553 = arith.constant 5 : i32
        %add3A_554 = arith.addi %add3A_275, %add3A_553 : i32
        %add3A_555 = arith.addi %mul3A_2, %add3A_554 : i32
        %dma_start3A_556 = arith.constant 5 : i32
        %dma_start3A_557 = arith.constant 0 : i32
        %dma_start3A_558 = tpu.memref_slice %arg7[%dma_start3A_556, %dma_start3A_557] : memref<6x120xi32, #tpu.memory_space<vmem>> -> memref<1x120xi32, #tpu.memory_space<vmem>>
        %dma_start3A_559 = tpu.memref_squeeze %dma_start3A_558 : memref<1x120xi32, #tpu.memory_space<vmem>> -> memref<120xi32, #tpu.memory_space<vmem>>
        %dma_start3A_560 = arith.constant 0 : i32
        %dma_start3A_561 = tpu.memref_slice %arg3[%add3A_555, %dma_start3A_560] : memref<2688x120xi32, #tpu.memory_space<hbm>> -> memref<1x120xi32, #tpu.memory_space<hbm>>
        %dma_start3A_562 = tpu.memref_squeeze %dma_start3A_561 : memref<1x120xi32, #tpu.memory_space<hbm>> -> memref<120xi32, #tpu.memory_space<hbm>>
        %dma_start3A_563 = arith.constant 0 : i32
        %dma_start3A_564 = tpu.memref_slice %arg7[%dma_start3A_556, %dma_start3A_563] : memref<6x120xi32, #tpu.memory_space<vmem>> -> memref<1x120xi32, #tpu.memory_space<vmem>>
        %dma_start3A_565 = tpu.memref_squeeze %dma_start3A_564 : memref<1x120xi32, #tpu.memory_space<vmem>> -> memref<120xi32, #tpu.memory_space<vmem>>
        %dma_start3A_566 = arith.constant 0 : i32
        %dma_start3A_567 = tpu.memref_slice %arg3[%add3A_555, %dma_start3A_566] : memref<2688x120xi32, #tpu.memory_space<hbm>> -> memref<1x120xi32, #tpu.memory_space<hbm>>
        %dma_start3A_568 = tpu.memref_squeeze %dma_start3A_567 : memref<1x120xi32, #tpu.memory_space<hbm>> -> memref<120xi32, #tpu.memory_space<hbm>>
        tpu.enqueue_dma source(%dma_start3A_568 : memref<120xi32, #tpu.memory_space<hbm>>) target(%dma_start3A_565 : memref<120xi32, #tpu.memory_space<vmem>>) target_semaphore(%arg22 : memref<!tpu.dma_semaphore, #tpu.memory_space<semaphore_mem>>)
        %add3A_569 = arith.addi %mul3A_2, %add3A_554 : i32
        %dma_start3A_570 = arith.constant 5 : i32
        %dma_start3A_571 = arith.constant 0 : i32
        %dma_start3A_572 = tpu.memref_slice %arg8[%dma_start3A_570, %dma_start3A_571] : memref<6x120xi32, #tpu.memory_space<vmem>> -> memref<1x120xi32, #tpu.memory_space<vmem>>
        %dma_start3A_573 = tpu.memref_squeeze %dma_start3A_572 : memref<1x120xi32, #tpu.memory_space<vmem>> -> memref<120xi32, #tpu.memory_space<vmem>>
        %dma_start3A_574 = arith.constant 0 : i32
        %dma_start3A_575 = tpu.memref_slice %arg4[%add3A_569, %dma_start3A_574] : memref<2688x120xi32, #tpu.memory_space<hbm>> -> memref<1x120xi32, #tpu.memory_space<hbm>>
        %dma_start3A_576 = tpu.memref_squeeze %dma_start3A_575 : memref<1x120xi32, #tpu.memory_space<hbm>> -> memref<120xi32, #tpu.memory_space<hbm>>
        %dma_start3A_577 = arith.constant 0 : i32
        %dma_start3A_578 = tpu.memref_slice %arg8[%dma_start3A_570, %dma_start3A_577] : memref<6x120xi32, #tpu.memory_space<vmem>> -> memref<1x120xi32, #tpu.memory_space<vmem>>
        %dma_start3A_579 = tpu.memref_squeeze %dma_start3A_578 : memref<1x120xi32, #tpu.memory_space<vmem>> -> memref<120xi32, #tpu.memory_space<vmem>>
        %dma_start3A_580 = arith.constant 0 : i32
        %dma_start3A_581 = tpu.memref_slice %arg4[%add3A_569, %dma_start3A_580] : memref<2688x120xi32, #tpu.memory_space<hbm>> -> memref<1x120xi32, #tpu.memory_space<hbm>>
        %dma_start3A_582 = tpu.memref_squeeze %dma_start3A_581 : memref<1x120xi32, #tpu.memory_space<hbm>> -> memref<120xi32, #tpu.memory_space<hbm>>
        tpu.enqueue_dma source(%dma_start3A_582 : memref<120xi32, #tpu.memory_space<hbm>>) target(%dma_start3A_579 : memref<120xi32, #tpu.memory_space<vmem>>) target_semaphore(%arg22 : memref<!tpu.dma_semaphore, #tpu.memory_space<semaphore_mem>>)
      } else {
      }
      %dma_wait3A_287 = arith.constant 0 : i32
      %dma_wait3A_288 = arith.constant 0 : i32
      %dma_wait3A_289 = arith.constant 0 : i32
      %dma_wait3A_290 = arith.constant 0 : i32
      %dma_wait3A_291 = tpu.memref_slice %arg9[%dma_wait3A_288, %dma_wait3A_289, %dma_wait3A_290] : memref<3x120x128xf32, #tpu.memory_space<vmem>> -> memref<1x120x128xf32, #tpu.memory_space<vmem>>
      %dma_wait3A_292 = tpu.memref_squeeze %dma_wait3A_291 : memref<1x120x128xf32, #tpu.memory_space<vmem>> -> memref<120x128xf32, #tpu.memory_space<vmem>>
      %dma_wait3A_293 = arith.constant 0 : i32
      %dma_wait3A_294 = tpu.memref_slice %arg7[%dma_wait3A_287, %dma_wait3A_293] : memref<6x120xi32, #tpu.memory_space<vmem>> -> memref<1x120xi32, #tpu.memory_space<vmem>>
      %dma_wait3A_295 = tpu.memref_squeeze %dma_wait3A_294 : memref<1x120xi32, #tpu.memory_space<vmem>> -> memref<120xi32, #tpu.memory_space<vmem>>
      %dma_wait3A_296 = arith.constant 0 : i32
      %dma_wait3A_297 = arith.constant 0 : i32
      %dma_wait3A_298 = tpu.memref_slice %arg2[%dma_wait3A_296, %dma_wait3A_297] : memref<10000x128xf32, #tpu.memory_space<hbm>> -> memref<10000x128xf32, #tpu.memory_space<hbm>>
      tpu.wait_indirect_dma semaphore(%arg11 : memref<!tpu.dma_semaphore, #tpu.memory_space<semaphore_mem>>) src(%dma_wait3A_298 : memref<10000x128xf32, #tpu.memory_space<hbm>>) dst(%dma_wait3A_292 : memref<120x128xf32, #tpu.memory_space<vmem>>)
      %dma_start3A_299 = arith.constant 0 : i32
      %dma_start3A_300 = arith.constant 0 : i32
      %dma_start3A_301 = arith.constant 0 : i32
      %dma_start3A_302 = arith.constant 0 : i32
      %dma_start3A_303 = tpu.memref_slice %arg9[%dma_start3A_299, %dma_start3A_301, %dma_start3A_302] : memref<3x120x128xf32, #tpu.memory_space<vmem>> -> memref<1x120x128xf32, #tpu.memory_space<vmem>>
      %dma_start3A_304 = tpu.memref_squeeze %dma_start3A_303 : memref<1x120x128xf32, #tpu.memory_space<vmem>> -> memref<120x128xf32, #tpu.memory_space<vmem>>
      %dma_start3A_305 = arith.constant 0 : i32
      %dma_start3A_306 = tpu.memref_slice %arg8[%dma_start3A_300, %dma_start3A_305] : memref<6x120xi32, #tpu.memory_space<vmem>> -> memref<1x120xi32, #tpu.memory_space<vmem>>
      %dma_start3A_307 = tpu.memref_squeeze %dma_start3A_306 : memref<1x120xi32, #tpu.memory_space<vmem>> -> memref<120xi32, #tpu.memory_space<vmem>>
      %dma_start3A_308 = arith.constant 0 : i32
      %dma_start3A_309 = arith.constant 0 : i32
      %dma_start3A_310 = tpu.memref_slice %arg10[%dma_start3A_308, %dma_start3A_309] : memref<10008x128xf32, #tpu.memory_space<vmem_shared>> -> memref<10008x128xf32, #tpu.memory_space<vmem_shared>>
      tpu.enqueue_indirect_dma source(%dma_start3A_304 : memref<120x128xf32, #tpu.memory_space<vmem>>) target(%dma_start3A_310 : memref<10008x128xf32, #tpu.memory_space<vmem_shared>>) offsets(%dma_start3A_307 : memref<120xi32, #tpu.memory_space<vmem>>) semaphore(%arg14 : memref<!tpu.dma_semaphore, #tpu.memory_space<semaphore_mem>>) {add = true}
      %add3A_311 = arith.constant 2 : i32
      %add3A_312 = arith.addi %add3A_275, %add3A_311 : i32
      %lt3A_313 = arith.constant 84 : i32
      %lt3A_314 = arith.cmpi slt, %add3A_312, %lt3A_313 : i32
      %convert_element_type3A_315 = arith.extui %lt3A_314 : i1 to i32
      %cond3A_316 = arith.constant 0 : i32
      %cond3A_317 = arith.cmpi ne, %convert_element_type3A_315, %cond3A_316 : i32
      scf.if %cond3A_317 {
        %add3A_553 = arith.constant 2 : i32
        %add3A_554 = arith.addi %add3A_275, %add3A_553 : i32
        %add3A_555 = arith.addi %mul3A_2, %add3A_554 : i32
        %dma_wait3A_556 = arith.constant 2 : i32
        %dma_wait3A_557 = arith.constant 0 : i32
        %dma_wait3A_558 = tpu.memref_slice %arg7[%dma_wait3A_556, %dma_wait3A_557] : memref<6x120xi32, #tpu.memory_space<vmem>> -> memref<1x120xi32, #tpu.memory_space<vmem>>
        %dma_wait3A_559 = tpu.memref_squeeze %dma_wait3A_558 : memref<1x120xi32, #tpu.memory_space<vmem>> -> memref<120xi32, #tpu.memory_space<vmem>>
        %dma_wait3A_560 = arith.constant 0 : i32
        %dma_wait3A_561 = tpu.memref_slice %arg3[%add3A_555, %dma_wait3A_560] : memref<2688x120xi32, #tpu.memory_space<hbm>> -> memref<1x120xi32, #tpu.memory_space<hbm>>
        %dma_wait3A_562 = tpu.memref_squeeze %dma_wait3A_561 : memref<1x120xi32, #tpu.memory_space<hbm>> -> memref<120xi32, #tpu.memory_space<hbm>>
        %dma_wait3A_563 = arith.constant 0 : i32
        %dma_wait3A_564 = tpu.memref_slice %arg7[%dma_wait3A_556, %dma_wait3A_563] : memref<6x120xi32, #tpu.memory_space<vmem>> -> memref<1x120xi32, #tpu.memory_space<vmem>>
        %dma_wait3A_565 = tpu.memref_squeeze %dma_wait3A_564 : memref<1x120xi32, #tpu.memory_space<vmem>> -> memref<120xi32, #tpu.memory_space<vmem>>
        %dma_wait3A_566 = arith.constant 0 : i32
        %dma_wait3A_567 = tpu.memref_slice %arg3[%add3A_555, %dma_wait3A_566] : memref<2688x120xi32, #tpu.memory_space<hbm>> -> memref<1x120xi32, #tpu.memory_space<hbm>>
        %dma_wait3A_568 = tpu.memref_squeeze %dma_wait3A_567 : memref<1x120xi32, #tpu.memory_space<hbm>> -> memref<120xi32, #tpu.memory_space<hbm>>
        tpu.wait_dma2 semaphore(%arg19 : memref<!tpu.dma_semaphore, #tpu.memory_space<semaphore_mem>>) src(%dma_wait3A_568 : memref<120xi32, #tpu.memory_space<hbm>>) dst(%dma_wait3A_565 : memref<120xi32, #tpu.memory_space<vmem>>)
        %add3A_569 = arith.addi %mul3A_2, %add3A_554 : i32
        %dma_wait3A_570 = arith.constant 2 : i32
        %dma_wait3A_571 = arith.constant 0 : i32
        %dma_wait3A_572 = tpu.memref_slice %arg8[%dma_wait3A_570, %dma_wait3A_571] : memref<6x120xi32, #tpu.memory_space<vmem>> -> memref<1x120xi32, #tpu.memory_space<vmem>>
        %dma_wait3A_573 = tpu.memref_squeeze %dma_wait3A_572 : memref<1x120xi32, #tpu.memory_space<vmem>> -> memref<120xi32, #tpu.memory_space<vmem>>
        %dma_wait3A_574 = arith.constant 0 : i32
        %dma_wait3A_575 = tpu.memref_slice %arg4[%add3A_569, %dma_wait3A_574] : memref<2688x120xi32, #tpu.memory_space<hbm>> -> memref<1x120xi32, #tpu.memory_space<hbm>>
        %dma_wait3A_576 = tpu.memref_squeeze %dma_wait3A_575 : memref<1x120xi32, #tpu.memory_space<hbm>> -> memref<120xi32, #tpu.memory_space<hbm>>
        %dma_wait3A_577 = arith.constant 0 : i32
        %dma_wait3A_578 = tpu.memref_slice %arg8[%dma_wait3A_570, %dma_wait3A_577] : memref<6x120xi32, #tpu.memory_space<vmem>> -> memref<1x120xi32, #tpu.memory_space<vmem>>
        %dma_wait3A_579 = tpu.memref_squeeze %dma_wait3A_578 : memref<1x120xi32, #tpu.memory_space<vmem>> -> memref<120xi32, #tpu.memory_space<vmem>>
        %dma_wait3A_580 = arith.constant 0 : i32
        %dma_wait3A_581 = tpu.memref_slice %arg4[%add3A_569, %dma_wait3A_580] : memref<2688x120xi32, #tpu.memory_space<hbm>> -> memref<1x120xi32, #tpu.memory_space<hbm>>
        %dma_wait3A_582 = tpu.memref_squeeze %dma_wait3A_581 : memref<1x120xi32, #tpu.memory_space<hbm>> -> memref<120xi32, #tpu.memory_space<hbm>>
        tpu.wait_dma2 semaphore(%arg19 : memref<!tpu.dma_semaphore, #tpu.memory_space<semaphore_mem>>) src(%dma_wait3A_582 : memref<120xi32, #tpu.memory_space<hbm>>) dst(%dma_wait3A_579 : memref<120xi32, #tpu.memory_space<vmem>>)
        %dma_start3A_583 = arith.constant 2 : i32
        %dma_start3A_584 = arith.constant 2 : i32
        %dma_start3A_585 = arith.constant 0 : i32
        %dma_start3A_586 = arith.constant 0 : i32
        %dma_start3A_587 = tpu.memref_slice %arg9[%dma_start3A_584, %dma_start3A_585, %dma_start3A_586] : memref<3x120x128xf32, #tpu.memory_space<vmem>> -> memref<1x120x128xf32, #tpu.memory_space<vmem>>
        %dma_start3A_588 = tpu.memref_squeeze %dma_start3A_587 : memref<1x120x128xf32, #tpu.memory_space<vmem>> -> memref<120x128xf32, #tpu.memory_space<vmem>>
        %dma_start3A_589 = arith.constant 0 : i32
        %dma_start3A_590 = tpu.memref_slice %arg7[%dma_start3A_583, %dma_start3A_589] : memref<6x120xi32, #tpu.memory_space<vmem>> -> memref<1x120xi32, #tpu.memory_space<vmem>>
        %dma_start3A_591 = tpu.memref_squeeze %dma_start3A_590 : memref<1x120xi32, #tpu.memory_space<vmem>> -> memref<120xi32, #tpu.memory_space<vmem>>
        %dma_start3A_592 = arith.constant 0 : i32
        %dma_start3A_593 = arith.constant 0 : i32
        %dma_start3A_594 = tpu.memref_slice %arg2[%dma_start3A_592, %dma_start3A_593] : memref<10000x128xf32, #tpu.memory_space<hbm>> -> memref<10000x128xf32, #tpu.memory_space<hbm>>
        tpu.enqueue_indirect_dma source(%dma_start3A_594 : memref<10000x128xf32, #tpu.memory_space<hbm>>) target(%dma_start3A_588 : memref<120x128xf32, #tpu.memory_space<vmem>>) offsets(%dma_start3A_591 : memref<120xi32, #tpu.memory_space<vmem>>) semaphore(%arg13 : memref<!tpu.dma_semaphore, #tpu.memory_space<semaphore_mem>>)
      } else {
      }
      %mul3A_318 = arith.constant 6 : i32
      %mul3A_319 = arith.muli %scan3A_271, %mul3A_318 : i32
      %add3A_320 = arith.constant 1 : i32
      %add3A_321 = arith.addi %mul3A_319, %add3A_320 : i32
      %ge3A_322 = arith.constant 1 : i32
      %ge3A_323 = arith.cmpi sge, %add3A_321, %ge3A_322 : i32
      %convert_element_type3A_324 = arith.extui %ge3A_323 : i1 to i32
      %cond3A_325 = arith.constant 0 : i32
      %cond3A_326 = arith.cmpi ne, %convert_element_type3A_324, %cond3A_325 : i32
      scf.if %cond3A_326 {
        %dma_wait3A_553 = arith.constant 0 : i32
        %dma_wait3A_554 = arith.constant 0 : i32
        %dma_wait3A_555 = arith.constant 0 : i32
        %dma_wait3A_556 = arith.constant 0 : i32
        %dma_wait3A_557 = tpu.memref_slice %arg9[%dma_wait3A_553, %dma_wait3A_555, %dma_wait3A_556] : memref<3x120x128xf32, #tpu.memory_space<vmem>> -> memref<1x120x128xf32, #tpu.memory_space<vmem>>
        %dma_wait3A_558 = tpu.memref_squeeze %dma_wait3A_557 : memref<1x120x128xf32, #tpu.memory_space<vmem>> -> memref<120x128xf32, #tpu.memory_space<vmem>>
        %dma_wait3A_559 = arith.constant 0 : i32
        %dma_wait3A_560 = tpu.memref_slice %arg8[%dma_wait3A_554, %dma_wait3A_559] : memref<6x120xi32, #tpu.memory_space<vmem>> -> memref<1x120xi32, #tpu.memory_space<vmem>>
        %dma_wait3A_561 = tpu.memref_squeeze %dma_wait3A_560 : memref<1x120xi32, #tpu.memory_space<vmem>> -> memref<120xi32, #tpu.memory_space<vmem>>
        %dma_wait3A_562 = arith.constant 0 : i32
        %dma_wait3A_563 = arith.constant 0 : i32
        %dma_wait3A_564 = tpu.memref_slice %arg10[%dma_wait3A_562, %dma_wait3A_563] : memref<10008x128xf32, #tpu.memory_space<vmem_shared>> -> memref<10008x128xf32, #tpu.memory_space<vmem_shared>>
        tpu.wait_indirect_dma semaphore(%arg14 : memref<!tpu.dma_semaphore, #tpu.memory_space<semaphore_mem>>) src(%dma_wait3A_558 : memref<120x128xf32, #tpu.memory_space<vmem>>) dst(%dma_wait3A_564 : memref<10008x128xf32, #tpu.memory_space<vmem_shared>>)
      } else {
      }
      %add3A_327 = arith.constant 5 : i32
      %add3A_328 = arith.addi %add3A_321, %add3A_327 : i32
      %lt3A_329 = arith.constant 84 : i32
      %lt3A_330 = arith.cmpi slt, %add3A_328, %lt3A_329 : i32
      %convert_element_type3A_331 = arith.extui %lt3A_330 : i1 to i32
      %cond3A_332 = arith.constant 0 : i32
      %cond3A_333 = arith.cmpi ne, %convert_element_type3A_331, %cond3A_332 : i32
      scf.if %cond3A_333 {
        %add3A_553 = arith.constant 5 : i32
        %add3A_554 = arith.addi %add3A_321, %add3A_553 : i32
        %add3A_555 = arith.addi %mul3A_2, %add3A_554 : i32
        %dma_start3A_556 = arith.constant 0 : i32
        %dma_start3A_557 = arith.constant 0 : i32
        %dma_start3A_558 = tpu.memref_slice %arg7[%dma_start3A_556, %dma_start3A_557] : memref<6x120xi32, #tpu.memory_space<vmem>> -> memref<1x120xi32, #tpu.memory_space<vmem>>
        %dma_start3A_559 = tpu.memref_squeeze %dma_start3A_558 : memref<1x120xi32, #tpu.memory_space<vmem>> -> memref<120xi32, #tpu.memory_space<vmem>>
        %dma_start3A_560 = arith.constant 0 : i32
        %dma_start3A_561 = tpu.memref_slice %arg3[%add3A_555, %dma_start3A_560] : memref<2688x120xi32, #tpu.memory_space<hbm>> -> memref<1x120xi32, #tpu.memory_space<hbm>>
        %dma_start3A_562 = tpu.memref_squeeze %dma_start3A_561 : memref<1x120xi32, #tpu.memory_space<hbm>> -> memref<120xi32, #tpu.memory_space<hbm>>
        %dma_start3A_563 = arith.constant 0 : i32
        %dma_start3A_564 = tpu.memref_slice %arg7[%dma_start3A_556, %dma_start3A_563] : memref<6x120xi32, #tpu.memory_space<vmem>> -> memref<1x120xi32, #tpu.memory_space<vmem>>
        %dma_start3A_565 = tpu.memref_squeeze %dma_start3A_564 : memref<1x120xi32, #tpu.memory_space<vmem>> -> memref<120xi32, #tpu.memory_space<vmem>>
        %dma_start3A_566 = arith.constant 0 : i32
        %dma_start3A_567 = tpu.memref_slice %arg3[%add3A_555, %dma_start3A_566] : memref<2688x120xi32, #tpu.memory_space<hbm>> -> memref<1x120xi32, #tpu.memory_space<hbm>>
        %dma_start3A_568 = tpu.memref_squeeze %dma_start3A_567 : memref<1x120xi32, #tpu.memory_space<hbm>> -> memref<120xi32, #tpu.memory_space<hbm>>
        tpu.enqueue_dma source(%dma_start3A_568 : memref<120xi32, #tpu.memory_space<hbm>>) target(%dma_start3A_565 : memref<120xi32, #tpu.memory_space<vmem>>) target_semaphore(%arg17 : memref<!tpu.dma_semaphore, #tpu.memory_space<semaphore_mem>>)
        %add3A_569 = arith.addi %mul3A_2, %add3A_554 : i32
        %dma_start3A_570 = arith.constant 0 : i32
        %dma_start3A_571 = arith.constant 0 : i32
        %dma_start3A_572 = tpu.memref_slice %arg8[%dma_start3A_570, %dma_start3A_571] : memref<6x120xi32, #tpu.memory_space<vmem>> -> memref<1x120xi32, #tpu.memory_space<vmem>>
        %dma_start3A_573 = tpu.memref_squeeze %dma_start3A_572 : memref<1x120xi32, #tpu.memory_space<vmem>> -> memref<120xi32, #tpu.memory_space<vmem>>
        %dma_start3A_574 = arith.constant 0 : i32
        %dma_start3A_575 = tpu.memref_slice %arg4[%add3A_569, %dma_start3A_574] : memref<2688x120xi32, #tpu.memory_space<hbm>> -> memref<1x120xi32, #tpu.memory_space<hbm>>
        %dma_start3A_576 = tpu.memref_squeeze %dma_start3A_575 : memref<1x120xi32, #tpu.memory_space<hbm>> -> memref<120xi32, #tpu.memory_space<hbm>>
        %dma_start3A_577 = arith.constant 0 : i32
        %dma_start3A_578 = tpu.memref_slice %arg8[%dma_start3A_570, %dma_start3A_577] : memref<6x120xi32, #tpu.memory_space<vmem>> -> memref<1x120xi32, #tpu.memory_space<vmem>>
        %dma_start3A_579 = tpu.memref_squeeze %dma_start3A_578 : memref<1x120xi32, #tpu.memory_space<vmem>> -> memref<120xi32, #tpu.memory_space<vmem>>
        %dma_start3A_580 = arith.constant 0 : i32
        %dma_start3A_581 = tpu.memref_slice %arg4[%add3A_569, %dma_start3A_580] : memref<2688x120xi32, #tpu.memory_space<hbm>> -> memref<1x120xi32, #tpu.memory_space<hbm>>
        %dma_start3A_582 = tpu.memref_squeeze %dma_start3A_581 : memref<1x120xi32, #tpu.memory_space<hbm>> -> memref<120xi32, #tpu.memory_space<hbm>>
        tpu.enqueue_dma source(%dma_start3A_582 : memref<120xi32, #tpu.memory_space<hbm>>) target(%dma_start3A_579 : memref<120xi32, #tpu.memory_space<vmem>>) target_semaphore(%arg17 : memref<!tpu.dma_semaphore, #tpu.memory_space<semaphore_mem>>)
      } else {
      }
      %dma_wait3A_334 = arith.constant 1 : i32
      %dma_wait3A_335 = arith.constant 1 : i32
      %dma_wait3A_336 = arith.constant 0 : i32
      %dma_wait3A_337 = arith.constant 0 : i32
      %dma_wait3A_338 = tpu.memref_slice %arg9[%dma_wait3A_335, %dma_wait3A_336, %dma_wait3A_337] : memref<3x120x128xf32, #tpu.memory_space<vmem>> -> memref<1x120x128xf32, #tpu.memory_space<vmem>>
      %dma_wait3A_339 = tpu.memref_squeeze %dma_wait3A_338 : memref<1x120x128xf32, #tpu.memory_space<vmem>> -> memref<120x128xf32, #tpu.memory_space<vmem>>
      %dma_wait3A_340 = arith.constant 0 : i32
      %dma_wait3A_341 = tpu.memref_slice %arg7[%dma_wait3A_334, %dma_wait3A_340] : memref<6x120xi32, #tpu.memory_space<vmem>> -> memref<1x120xi32, #tpu.memory_space<vmem>>
      %dma_wait3A_342 = tpu.memref_squeeze %dma_wait3A_341 : memref<1x120xi32, #tpu.memory_space<vmem>> -> memref<120xi32, #tpu.memory_space<vmem>>
      %dma_wait3A_343 = arith.constant 0 : i32
      %dma_wait3A_344 = arith.constant 0 : i32
      %dma_wait3A_345 = tpu.memref_slice %arg2[%dma_wait3A_343, %dma_wait3A_344] : memref<10000x128xf32, #tpu.memory_space<hbm>> -> memref<10000x128xf32, #tpu.memory_space<hbm>>
      tpu.wait_indirect_dma semaphore(%arg12 : memref<!tpu.dma_semaphore, #tpu.memory_space<semaphore_mem>>) src(%dma_wait3A_345 : memref<10000x128xf32, #tpu.memory_space<hbm>>) dst(%dma_wait3A_339 : memref<120x128xf32, #tpu.memory_space<vmem>>)
      %dma_start3A_346 = arith.constant 1 : i32
      %dma_start3A_347 = arith.constant 1 : i32
      %dma_start3A_348 = arith.constant 0 : i32
      %dma_start3A_349 = arith.constant 0 : i32
      %dma_start3A_350 = tpu.memref_slice %arg9[%dma_start3A_346, %dma_start3A_348, %dma_start3A_349] : memref<3x120x128xf32, #tpu.memory_space<vmem>> -> memref<1x120x128xf32, #tpu.memory_space<vmem>>
      %dma_start3A_351 = tpu.memref_squeeze %dma_start3A_350 : memref<1x120x128xf32, #tpu.memory_space<vmem>> -> memref<120x128xf32, #tpu.memory_space<vmem>>
      %dma_start3A_352 = arith.constant 0 : i32
      %dma_start3A_353 = tpu.memref_slice %arg8[%dma_start3A_347, %dma_start3A_352] : memref<6x120xi32, #tpu.memory_space<vmem>> -> memref<1x120xi32, #tpu.memory_space<vmem>>
      %dma_start3A_354 = tpu.memref_squeeze %dma_start3A_353 : memref<1x120xi32, #tpu.memory_space<vmem>> -> memref<120xi32, #tpu.memory_space<vmem>>
      %dma_start3A_355 = arith.constant 0 : i32
      %dma_start3A_356 = arith.constant 0 : i32
      %dma_start3A_357 = tpu.memref_slice %arg10[%dma_start3A_355, %dma_start3A_356] : memref<10008x128xf32, #tpu.memory_space<vmem_shared>> -> memref<10008x128xf32, #tpu.memory_space<vmem_shared>>
      tpu.enqueue_indirect_dma source(%dma_start3A_351 : memref<120x128xf32, #tpu.memory_space<vmem>>) target(%dma_start3A_357 : memref<10008x128xf32, #tpu.memory_space<vmem_shared>>) offsets(%dma_start3A_354 : memref<120xi32, #tpu.memory_space<vmem>>) semaphore(%arg15 : memref<!tpu.dma_semaphore, #tpu.memory_space<semaphore_mem>>) {add = true}
      %add3A_358 = arith.constant 2 : i32
      %add3A_359 = arith.addi %add3A_321, %add3A_358 : i32
      %lt3A_360 = arith.constant 84 : i32
      %lt3A_361 = arith.cmpi slt, %add3A_359, %lt3A_360 : i32
      %convert_element_type3A_362 = arith.extui %lt3A_361 : i1 to i32
      %cond3A_363 = arith.constant 0 : i32
      %cond3A_364 = arith.cmpi ne, %convert_element_type3A_362, %cond3A_363 : i32
      scf.if %cond3A_364 {
        %add3A_553 = arith.constant 2 : i32
        %add3A_554 = arith.addi %add3A_321, %add3A_553 : i32
        %add3A_555 = arith.addi %mul3A_2, %add3A_554 : i32
        %dma_wait3A_556 = arith.constant 3 : i32
        %dma_wait3A_557 = arith.constant 0 : i32
        %dma_wait3A_558 = tpu.memref_slice %arg7[%dma_wait3A_556, %dma_wait3A_557] : memref<6x120xi32, #tpu.memory_space<vmem>> -> memref<1x120xi32, #tpu.memory_space<vmem>>
        %dma_wait3A_559 = tpu.memref_squeeze %dma_wait3A_558 : memref<1x120xi32, #tpu.memory_space<vmem>> -> memref<120xi32, #tpu.memory_space<vmem>>
        %dma_wait3A_560 = arith.constant 0 : i32
        %dma_wait3A_561 = tpu.memref_slice %arg3[%add3A_555, %dma_wait3A_560] : memref<2688x120xi32, #tpu.memory_space<hbm>> -> memref<1x120xi32, #tpu.memory_space<hbm>>
        %dma_wait3A_562 = tpu.memref_squeeze %dma_wait3A_561 : memref<1x120xi32, #tpu.memory_space<hbm>> -> memref<120xi32, #tpu.memory_space<hbm>>
        %dma_wait3A_563 = arith.constant 0 : i32
        %dma_wait3A_564 = tpu.memref_slice %arg7[%dma_wait3A_556, %dma_wait3A_563] : memref<6x120xi32, #tpu.memory_space<vmem>> -> memref<1x120xi32, #tpu.memory_space<vmem>>
        %dma_wait3A_565 = tpu.memref_squeeze %dma_wait3A_564 : memref<1x120xi32, #tpu.memory_space<vmem>> -> memref<120xi32, #tpu.memory_space<vmem>>
        %dma_wait3A_566 = arith.constant 0 : i32
        %dma_wait3A_567 = tpu.memref_slice %arg3[%add3A_555, %dma_wait3A_566] : memref<2688x120xi32, #tpu.memory_space<hbm>> -> memref<1x120xi32, #tpu.memory_space<hbm>>
        %dma_wait3A_568 = tpu.memref_squeeze %dma_wait3A_567 : memref<1x120xi32, #tpu.memory_space<hbm>> -> memref<120xi32, #tpu.memory_space<hbm>>
        tpu.wait_dma2 semaphore(%arg20 : memref<!tpu.dma_semaphore, #tpu.memory_space<semaphore_mem>>) src(%dma_wait3A_568 : memref<120xi32, #tpu.memory_space<hbm>>) dst(%dma_wait3A_565 : memref<120xi32, #tpu.memory_space<vmem>>)
        %add3A_569 = arith.addi %mul3A_2, %add3A_554 : i32
        %dma_wait3A_570 = arith.constant 3 : i32
        %dma_wait3A_571 = arith.constant 0 : i32
        %dma_wait3A_572 = tpu.memref_slice %arg8[%dma_wait3A_570, %dma_wait3A_571] : memref<6x120xi32, #tpu.memory_space<vmem>> -> memref<1x120xi32, #tpu.memory_space<vmem>>
        %dma_wait3A_573 = tpu.memref_squeeze %dma_wait3A_572 : memref<1x120xi32, #tpu.memory_space<vmem>> -> memref<120xi32, #tpu.memory_space<vmem>>
        %dma_wait3A_574 = arith.constant 0 : i32
        %dma_wait3A_575 = tpu.memref_slice %arg4[%add3A_569, %dma_wait3A_574] : memref<2688x120xi32, #tpu.memory_space<hbm>> -> memref<1x120xi32, #tpu.memory_space<hbm>>
        %dma_wait3A_576 = tpu.memref_squeeze %dma_wait3A_575 : memref<1x120xi32, #tpu.memory_space<hbm>> -> memref<120xi32, #tpu.memory_space<hbm>>
        %dma_wait3A_577 = arith.constant 0 : i32
        %dma_wait3A_578 = tpu.memref_slice %arg8[%dma_wait3A_570, %dma_wait3A_577] : memref<6x120xi32, #tpu.memory_space<vmem>> -> memref<1x120xi32, #tpu.memory_space<vmem>>
        %dma_wait3A_579 = tpu.memref_squeeze %dma_wait3A_578 : memref<1x120xi32, #tpu.memory_space<vmem>> -> memref<120xi32, #tpu.memory_space<vmem>>
        %dma_wait3A_580 = arith.constant 0 : i32
        %dma_wait3A_581 = tpu.memref_slice %arg4[%add3A_569, %dma_wait3A_580] : memref<2688x120xi32, #tpu.memory_space<hbm>> -> memref<1x120xi32, #tpu.memory_space<hbm>>
        %dma_wait3A_582 = tpu.memref_squeeze %dma_wait3A_581 : memref<1x120xi32, #tpu.memory_space<hbm>> -> memref<120xi32, #tpu.memory_space<hbm>>
        tpu.wait_dma2 semaphore(%arg20 : memref<!tpu.dma_semaphore, #tpu.memory_space<semaphore_mem>>) src(%dma_wait3A_582 : memref<120xi32, #tpu.memory_space<hbm>>) dst(%dma_wait3A_579 : memref<120xi32, #tpu.memory_space<vmem>>)
        %dma_start3A_583 = arith.constant 3 : i32
        %dma_start3A_584 = arith.constant 0 : i32
        %dma_start3A_585 = arith.constant 0 : i32
        %dma_start3A_586 = arith.constant 0 : i32
        %dma_start3A_587 = tpu.memref_slice %arg9[%dma_start3A_584, %dma_start3A_585, %dma_start3A_586] : memref<3x120x128xf32, #tpu.memory_space<vmem>> -> memref<1x120x128xf32, #tpu.memory_space<vmem>>
        %dma_start3A_588 = tpu.memref_squeeze %dma_start3A_587 : memref<1x120x128xf32, #tpu.memory_space<vmem>> -> memref<120x128xf32, #tpu.memory_space<vmem>>
        %dma_start3A_589 = arith.constant 0 : i32
        %dma_start3A_590 = tpu.memref_slice %arg7[%dma_start3A_583, %dma_start3A_589] : memref<6x120xi32, #tpu.memory_space<vmem>> -> memref<1x120xi32, #tpu.memory_space<vmem>>
        %dma_start3A_591 = tpu.memref_squeeze %dma_start3A_590 : memref<1x120xi32, #tpu.memory_space<vmem>> -> memref<120xi32, #tpu.memory_space<vmem>>
        %dma_start3A_592 = arith.constant 0 : i32
        %dma_start3A_593 = arith.constant 0 : i32
        %dma_start3A_594 = tpu.memref_slice %arg2[%dma_start3A_592, %dma_start3A_593] : memref<10000x128xf32, #tpu.memory_space<hbm>> -> memref<10000x128xf32, #tpu.memory_space<hbm>>
        tpu.enqueue_indirect_dma source(%dma_start3A_594 : memref<10000x128xf32, #tpu.memory_space<hbm>>) target(%dma_start3A_588 : memref<120x128xf32, #tpu.memory_space<vmem>>) offsets(%dma_start3A_591 : memref<120xi32, #tpu.memory_space<vmem>>) semaphore(%arg11 : memref<!tpu.dma_semaphore, #tpu.memory_space<semaphore_mem>>)
      } else {
      }
      %mul3A_365 = arith.constant 6 : i32
      %mul3A_366 = arith.muli %scan3A_271, %mul3A_365 : i32
      %add3A_367 = arith.constant 2 : i32
      %add3A_368 = arith.addi %mul3A_366, %add3A_367 : i32
      %ge3A_369 = arith.constant 1 : i32
      %ge3A_370 = arith.cmpi sge, %add3A_368, %ge3A_369 : i32
      %convert_element_type3A_371 = arith.extui %ge3A_370 : i1 to i32
      %cond3A_372 = arith.constant 0 : i32
      %cond3A_373 = arith.cmpi ne, %convert_element_type3A_371, %cond3A_372 : i32
      scf.if %cond3A_373 {
        %dma_wait3A_553 = arith.constant 1 : i32
        %dma_wait3A_554 = arith.constant 1 : i32
        %dma_wait3A_555 = arith.constant 0 : i32
        %dma_wait3A_556 = arith.constant 0 : i32
        %dma_wait3A_557 = tpu.memref_slice %arg9[%dma_wait3A_553, %dma_wait3A_555, %dma_wait3A_556] : memref<3x120x128xf32, #tpu.memory_space<vmem>> -> memref<1x120x128xf32, #tpu.memory_space<vmem>>
        %dma_wait3A_558 = tpu.memref_squeeze %dma_wait3A_557 : memref<1x120x128xf32, #tpu.memory_space<vmem>> -> memref<120x128xf32, #tpu.memory_space<vmem>>
        %dma_wait3A_559 = arith.constant 0 : i32
        %dma_wait3A_560 = tpu.memref_slice %arg8[%dma_wait3A_554, %dma_wait3A_559] : memref<6x120xi32, #tpu.memory_space<vmem>> -> memref<1x120xi32, #tpu.memory_space<vmem>>
        %dma_wait3A_561 = tpu.memref_squeeze %dma_wait3A_560 : memref<1x120xi32, #tpu.memory_space<vmem>> -> memref<120xi32, #tpu.memory_space<vmem>>
        %dma_wait3A_562 = arith.constant 0 : i32
        %dma_wait3A_563 = arith.constant 0 : i32
        %dma_wait3A_564 = tpu.memref_slice %arg10[%dma_wait3A_562, %dma_wait3A_563] : memref<10008x128xf32, #tpu.memory_space<vmem_shared>> -> memref<10008x128xf32, #tpu.memory_space<vmem_shared>>
        tpu.wait_indirect_dma semaphore(%arg15 : memref<!tpu.dma_semaphore, #tpu.memory_space<semaphore_mem>>) src(%dma_wait3A_558 : memref<120x128xf32, #tpu.memory_space<vmem>>) dst(%dma_wait3A_564 : memref<10008x128xf32, #tpu.memory_space<vmem_shared>>)
      } else {
      }
      %add3A_374 = arith.constant 5 : i32
      %add3A_375 = arith.addi %add3A_368, %add3A_374 : i32
      %lt3A_376 = arith.constant 84 : i32
      %lt3A_377 = arith.cmpi slt, %add3A_375, %lt3A_376 : i32
      %convert_element_type3A_378 = arith.extui %lt3A_377 : i1 to i32
      %cond3A_379 = arith.constant 0 : i32
      %cond3A_380 = arith.cmpi ne, %convert_element_type3A_378, %cond3A_379 : i32
      scf.if %cond3A_380 {
        %add3A_553 = arith.constant 5 : i32
        %add3A_554 = arith.addi %add3A_368, %add3A_553 : i32
        %add3A_555 = arith.addi %mul3A_2, %add3A_554 : i32
        %dma_start3A_556 = arith.constant 1 : i32
        %dma_start3A_557 = arith.constant 0 : i32
        %dma_start3A_558 = tpu.memref_slice %arg7[%dma_start3A_556, %dma_start3A_557] : memref<6x120xi32, #tpu.memory_space<vmem>> -> memref<1x120xi32, #tpu.memory_space<vmem>>
        %dma_start3A_559 = tpu.memref_squeeze %dma_start3A_558 : memref<1x120xi32, #tpu.memory_space<vmem>> -> memref<120xi32, #tpu.memory_space<vmem>>
        %dma_start3A_560 = arith.constant 0 : i32
        %dma_start3A_561 = tpu.memref_slice %arg3[%add3A_555, %dma_start3A_560] : memref<2688x120xi32, #tpu.memory_space<hbm>> -> memref<1x120xi32, #tpu.memory_space<hbm>>
        %dma_start3A_562 = tpu.memref_squeeze %dma_start3A_561 : memref<1x120xi32, #tpu.memory_space<hbm>> -> memref<120xi32, #tpu.memory_space<hbm>>
        %dma_start3A_563 = arith.constant 0 : i32
        %dma_start3A_564 = tpu.memref_slice %arg7[%dma_start3A_556, %dma_start3A_563] : memref<6x120xi32, #tpu.memory_space<vmem>> -> memref<1x120xi32, #tpu.memory_space<vmem>>
        %dma_start3A_565 = tpu.memref_squeeze %dma_start3A_564 : memref<1x120xi32, #tpu.memory_space<vmem>> -> memref<120xi32, #tpu.memory_space<vmem>>
        %dma_start3A_566 = arith.constant 0 : i32
        %dma_start3A_567 = tpu.memref_slice %arg3[%add3A_555, %dma_start3A_566] : memref<2688x120xi32, #tpu.memory_space<hbm>> -> memref<1x120xi32, #tpu.memory_space<hbm>>
        %dma_start3A_568 = tpu.memref_squeeze %dma_start3A_567 : memref<1x120xi32, #tpu.memory_space<hbm>> -> memref<120xi32, #tpu.memory_space<hbm>>
        tpu.enqueue_dma source(%dma_start3A_568 : memref<120xi32, #tpu.memory_space<hbm>>) target(%dma_start3A_565 : memref<120xi32, #tpu.memory_space<vmem>>) target_semaphore(%arg18 : memref<!tpu.dma_semaphore, #tpu.memory_space<semaphore_mem>>)
        %add3A_569 = arith.addi %mul3A_2, %add3A_554 : i32
        %dma_start3A_570 = arith.constant 1 : i32
        %dma_start3A_571 = arith.constant 0 : i32
        %dma_start3A_572 = tpu.memref_slice %arg8[%dma_start3A_570, %dma_start3A_571] : memref<6x120xi32, #tpu.memory_space<vmem>> -> memref<1x120xi32, #tpu.memory_space<vmem>>
        %dma_start3A_573 = tpu.memref_squeeze %dma_start3A_572 : memref<1x120xi32, #tpu.memory_space<vmem>> -> memref<120xi32, #tpu.memory_space<vmem>>
        %dma_start3A_574 = arith.constant 0 : i32
        %dma_start3A_575 = tpu.memref_slice %arg4[%add3A_569, %dma_start3A_574] : memref<2688x120xi32, #tpu.memory_space<hbm>> -> memref<1x120xi32, #tpu.memory_space<hbm>>
        %dma_start3A_576 = tpu.memref_squeeze %dma_start3A_575 : memref<1x120xi32, #tpu.memory_space<hbm>> -> memref<120xi32, #tpu.memory_space<hbm>>
        %dma_start3A_577 = arith.constant 0 : i32
        %dma_start3A_578 = tpu.memref_slice %arg8[%dma_start3A_570, %dma_start3A_577] : memref<6x120xi32, #tpu.memory_space<vmem>> -> memref<1x120xi32, #tpu.memory_space<vmem>>
        %dma_start3A_579 = tpu.memref_squeeze %dma_start3A_578 : memref<1x120xi32, #tpu.memory_space<vmem>> -> memref<120xi32, #tpu.memory_space<vmem>>
        %dma_start3A_580 = arith.constant 0 : i32
        %dma_start3A_581 = tpu.memref_slice %arg4[%add3A_569, %dma_start3A_580] : memref<2688x120xi32, #tpu.memory_space<hbm>> -> memref<1x120xi32, #tpu.memory_space<hbm>>
        %dma_start3A_582 = tpu.memref_squeeze %dma_start3A_581 : memref<1x120xi32, #tpu.memory_space<hbm>> -> memref<120xi32, #tpu.memory_space<hbm>>
        tpu.enqueue_dma source(%dma_start3A_582 : memref<120xi32, #tpu.memory_space<hbm>>) target(%dma_start3A_579 : memref<120xi32, #tpu.memory_space<vmem>>) target_semaphore(%arg18 : memref<!tpu.dma_semaphore, #tpu.memory_space<semaphore_mem>>)
      } else {
      }
      %dma_wait3A_381 = arith.constant 2 : i32
      %dma_wait3A_382 = arith.constant 2 : i32
      %dma_wait3A_383 = arith.constant 0 : i32
      %dma_wait3A_384 = arith.constant 0 : i32
      %dma_wait3A_385 = tpu.memref_slice %arg9[%dma_wait3A_382, %dma_wait3A_383, %dma_wait3A_384] : memref<3x120x128xf32, #tpu.memory_space<vmem>> -> memref<1x120x128xf32, #tpu.memory_space<vmem>>
      %dma_wait3A_386 = tpu.memref_squeeze %dma_wait3A_385 : memref<1x120x128xf32, #tpu.memory_space<vmem>> -> memref<120x128xf32, #tpu.memory_space<vmem>>
      %dma_wait3A_387 = arith.constant 0 : i32
      %dma_wait3A_388 = tpu.memref_slice %arg7[%dma_wait3A_381, %dma_wait3A_387] : memref<6x120xi32, #tpu.memory_space<vmem>> -> memref<1x120xi32, #tpu.memory_space<vmem>>
      %dma_wait3A_389 = tpu.memref_squeeze %dma_wait3A_388 : memref<1x120xi32, #tpu.memory_space<vmem>> -> memref<120xi32, #tpu.memory_space<vmem>>
      %dma_wait3A_390 = arith.constant 0 : i32
      %dma_wait3A_391 = arith.constant 0 : i32
      %dma_wait3A_392 = tpu.memref_slice %arg2[%dma_wait3A_390, %dma_wait3A_391] : memref<10000x128xf32, #tpu.memory_space<hbm>> -> memref<10000x128xf32, #tpu.memory_space<hbm>>
      tpu.wait_indirect_dma semaphore(%arg13 : memref<!tpu.dma_semaphore, #tpu.memory_space<semaphore_mem>>) src(%dma_wait3A_392 : memref<10000x128xf32, #tpu.memory_space<hbm>>) dst(%dma_wait3A_386 : memref<120x128xf32, #tpu.memory_space<vmem>>)
      %dma_start3A_393 = arith.constant 2 : i32
      %dma_start3A_394 = arith.constant 2 : i32
      %dma_start3A_395 = arith.constant 0 : i32
      %dma_start3A_396 = arith.constant 0 : i32
      %dma_start3A_397 = tpu.memref_slice %arg9[%dma_start3A_393, %dma_start3A_395, %dma_start3A_396] : memref<3x120x128xf32, #tpu.memory_space<vmem>> -> memref<1x120x128xf32, #tpu.memory_space<vmem>>
      %dma_start3A_398 = tpu.memref_squeeze %dma_start3A_397 : memref<1x120x128xf32, #tpu.memory_space<vmem>> -> memref<120x128xf32, #tpu.memory_space<vmem>>
      %dma_start3A_399 = arith.constant 0 : i32
      %dma_start3A_400 = tpu.memref_slice %arg8[%dma_start3A_394, %dma_start3A_399] : memref<6x120xi32, #tpu.memory_space<vmem>> -> memref<1x120xi32, #tpu.memory_space<vmem>>
      %dma_start3A_401 = tpu.memref_squeeze %dma_start3A_400 : memref<1x120xi32, #tpu.memory_space<vmem>> -> memref<120xi32, #tpu.memory_space<vmem>>
      %dma_start3A_402 = arith.constant 0 : i32
      %dma_start3A_403 = arith.constant 0 : i32
      %dma_start3A_404 = tpu.memref_slice %arg10[%dma_start3A_402, %dma_start3A_403] : memref<10008x128xf32, #tpu.memory_space<vmem_shared>> -> memref<10008x128xf32, #tpu.memory_space<vmem_shared>>
      tpu.enqueue_indirect_dma source(%dma_start3A_398 : memref<120x128xf32, #tpu.memory_space<vmem>>) target(%dma_start3A_404 : memref<10008x128xf32, #tpu.memory_space<vmem_shared>>) offsets(%dma_start3A_401 : memref<120xi32, #tpu.memory_space<vmem>>) semaphore(%arg16 : memref<!tpu.dma_semaphore, #tpu.memory_space<semaphore_mem>>) {add = true}
      %add3A_405 = arith.constant 2 : i32
      %add3A_406 = arith.addi %add3A_368, %add3A_405 : i32
      %lt3A_407 = arith.constant 84 : i32
      %lt3A_408 = arith.cmpi slt, %add3A_406, %lt3A_407 : i32
      %convert_element_type3A_409 = arith.extui %lt3A_408 : i1 to i32
      %cond3A_410 = arith.constant 0 : i32
      %cond3A_411 = arith.cmpi ne, %convert_element_type3A_409, %cond3A_410 : i32
      scf.if %cond3A_411 {
        %add3A_553 = arith.constant 2 : i32
        %add3A_554 = arith.addi %add3A_368, %add3A_553 : i32
        %add3A_555 = arith.addi %mul3A_2, %add3A_554 : i32
        %dma_wait3A_556 = arith.constant 4 : i32
        %dma_wait3A_557 = arith.constant 0 : i32
        %dma_wait3A_558 = tpu.memref_slice %arg7[%dma_wait3A_556, %dma_wait3A_557] : memref<6x120xi32, #tpu.memory_space<vmem>> -> memref<1x120xi32, #tpu.memory_space<vmem>>
        %dma_wait3A_559 = tpu.memref_squeeze %dma_wait3A_558 : memref<1x120xi32, #tpu.memory_space<vmem>> -> memref<120xi32, #tpu.memory_space<vmem>>
        %dma_wait3A_560 = arith.constant 0 : i32
        %dma_wait3A_561 = tpu.memref_slice %arg3[%add3A_555, %dma_wait3A_560] : memref<2688x120xi32, #tpu.memory_space<hbm>> -> memref<1x120xi32, #tpu.memory_space<hbm>>
        %dma_wait3A_562 = tpu.memref_squeeze %dma_wait3A_561 : memref<1x120xi32, #tpu.memory_space<hbm>> -> memref<120xi32, #tpu.memory_space<hbm>>
        %dma_wait3A_563 = arith.constant 0 : i32
        %dma_wait3A_564 = tpu.memref_slice %arg7[%dma_wait3A_556, %dma_wait3A_563] : memref<6x120xi32, #tpu.memory_space<vmem>> -> memref<1x120xi32, #tpu.memory_space<vmem>>
        %dma_wait3A_565 = tpu.memref_squeeze %dma_wait3A_564 : memref<1x120xi32, #tpu.memory_space<vmem>> -> memref<120xi32, #tpu.memory_space<vmem>>
        %dma_wait3A_566 = arith.constant 0 : i32
        %dma_wait3A_567 = tpu.memref_slice %arg3[%add3A_555, %dma_wait3A_566] : memref<2688x120xi32, #tpu.memory_space<hbm>> -> memref<1x120xi32, #tpu.memory_space<hbm>>
        %dma_wait3A_568 = tpu.memref_squeeze %dma_wait3A_567 : memref<1x120xi32, #tpu.memory_space<hbm>> -> memref<120xi32, #tpu.memory_space<hbm>>
        tpu.wait_dma2 semaphore(%arg21 : memref<!tpu.dma_semaphore, #tpu.memory_space<semaphore_mem>>) src(%dma_wait3A_568 : memref<120xi32, #tpu.memory_space<hbm>>) dst(%dma_wait3A_565 : memref<120xi32, #tpu.memory_space<vmem>>)
        %add3A_569 = arith.addi %mul3A_2, %add3A_554 : i32
        %dma_wait3A_570 = arith.constant 4 : i32
        %dma_wait3A_571 = arith.constant 0 : i32
        %dma_wait3A_572 = tpu.memref_slice %arg8[%dma_wait3A_570, %dma_wait3A_571] : memref<6x120xi32, #tpu.memory_space<vmem>> -> memref<1x120xi32, #tpu.memory_space<vmem>>
        %dma_wait3A_573 = tpu.memref_squeeze %dma_wait3A_572 : memref<1x120xi32, #tpu.memory_space<vmem>> -> memref<120xi32, #tpu.memory_space<vmem>>
        %dma_wait3A_574 = arith.constant 0 : i32
        %dma_wait3A_575 = tpu.memref_slice %arg4[%add3A_569, %dma_wait3A_574] : memref<2688x120xi32, #tpu.memory_space<hbm>> -> memref<1x120xi32, #tpu.memory_space<hbm>>
        %dma_wait3A_576 = tpu.memref_squeeze %dma_wait3A_575 : memref<1x120xi32, #tpu.memory_space<hbm>> -> memref<120xi32, #tpu.memory_space<hbm>>
        %dma_wait3A_577 = arith.constant 0 : i32
        %dma_wait3A_578 = tpu.memref_slice %arg8[%dma_wait3A_570, %dma_wait3A_577] : memref<6x120xi32, #tpu.memory_space<vmem>> -> memref<1x120xi32, #tpu.memory_space<vmem>>
        %dma_wait3A_579 = tpu.memref_squeeze %dma_wait3A_578 : memref<1x120xi32, #tpu.memory_space<vmem>> -> memref<120xi32, #tpu.memory_space<vmem>>
        %dma_wait3A_580 = arith.constant 0 : i32
        %dma_wait3A_581 = tpu.memref_slice %arg4[%add3A_569, %dma_wait3A_580] : memref<2688x120xi32, #tpu.memory_space<hbm>> -> memref<1x120xi32, #tpu.memory_space<hbm>>
        %dma_wait3A_582 = tpu.memref_squeeze %dma_wait3A_581 : memref<1x120xi32, #tpu.memory_space<hbm>> -> memref<120xi32, #tpu.memory_space<hbm>>
        tpu.wait_dma2 semaphore(%arg21 : memref<!tpu.dma_semaphore, #tpu.memory_space<semaphore_mem>>) src(%dma_wait3A_582 : memref<120xi32, #tpu.memory_space<hbm>>) dst(%dma_wait3A_579 : memref<120xi32, #tpu.memory_space<vmem>>)
        %dma_start3A_583 = arith.constant 4 : i32
        %dma_start3A_584 = arith.constant 1 : i32
        %dma_start3A_585 = arith.constant 0 : i32
        %dma_start3A_586 = arith.constant 0 : i32
        %dma_start3A_587 = tpu.memref_slice %arg9[%dma_start3A_584, %dma_start3A_585, %dma_start3A_586] : memref<3x120x128xf32, #tpu.memory_space<vmem>> -> memref<1x120x128xf32, #tpu.memory_space<vmem>>
        %dma_start3A_588 = tpu.memref_squeeze %dma_start3A_587 : memref<1x120x128xf32, #tpu.memory_space<vmem>> -> memref<120x128xf32, #tpu.memory_space<vmem>>
        %dma_start3A_589 = arith.constant 0 : i32
        %dma_start3A_590 = tpu.memref_slice %arg7[%dma_start3A_583, %dma_start3A_589] : memref<6x120xi32, #tpu.memory_space<vmem>> -> memref<1x120xi32, #tpu.memory_space<vmem>>
        %dma_start3A_591 = tpu.memref_squeeze %dma_start3A_590 : memref<1x120xi32, #tpu.memory_space<vmem>> -> memref<120xi32, #tpu.memory_space<vmem>>
        %dma_start3A_592 = arith.constant 0 : i32
        %dma_start3A_593 = arith.constant 0 : i32
        %dma_start3A_594 = tpu.memref_slice %arg2[%dma_start3A_592, %dma_start3A_593] : memref<10000x128xf32, #tpu.memory_space<hbm>> -> memref<10000x128xf32, #tpu.memory_space<hbm>>
        tpu.enqueue_indirect_dma source(%dma_start3A_594 : memref<10000x128xf32, #tpu.memory_space<hbm>>) target(%dma_start3A_588 : memref<120x128xf32, #tpu.memory_space<vmem>>) offsets(%dma_start3A_591 : memref<120xi32, #tpu.memory_space<vmem>>) semaphore(%arg12 : memref<!tpu.dma_semaphore, #tpu.memory_space<semaphore_mem>>)
      } else {
      }
      %mul3A_412 = arith.constant 6 : i32
      %mul3A_413 = arith.muli %scan3A_271, %mul3A_412 : i32
      %add3A_414 = arith.constant 3 : i32
      %add3A_415 = arith.addi %mul3A_413, %add3A_414 : i32
      %ge3A_416 = arith.constant 1 : i32
      %ge3A_417 = arith.cmpi sge, %add3A_415, %ge3A_416 : i32
      %convert_element_type3A_418 = arith.extui %ge3A_417 : i1 to i32
      %cond3A_419 = arith.constant 0 : i32
      %cond3A_420 = arith.cmpi ne, %convert_element_type3A_418, %cond3A_419 : i32
      scf.if %cond3A_420 {
        %dma_wait3A_553 = arith.constant 2 : i32
        %dma_wait3A_554 = arith.constant 2 : i32
        %dma_wait3A_555 = arith.constant 0 : i32
        %dma_wait3A_556 = arith.constant 0 : i32
        %dma_wait3A_557 = tpu.memref_slice %arg9[%dma_wait3A_553, %dma_wait3A_555, %dma_wait3A_556] : memref<3x120x128xf32, #tpu.memory_space<vmem>> -> memref<1x120x128xf32, #tpu.memory_space<vmem>>
        %dma_wait3A_558 = tpu.memref_squeeze %dma_wait3A_557 : memref<1x120x128xf32, #tpu.memory_space<vmem>> -> memref<120x128xf32, #tpu.memory_space<vmem>>
        %dma_wait3A_559 = arith.constant 0 : i32
        %dma_wait3A_560 = tpu.memref_slice %arg8[%dma_wait3A_554, %dma_wait3A_559] : memref<6x120xi32, #tpu.memory_space<vmem>> -> memref<1x120xi32, #tpu.memory_space<vmem>>
        %dma_wait3A_561 = tpu.memref_squeeze %dma_wait3A_560 : memref<1x120xi32, #tpu.memory_space<vmem>> -> memref<120xi32, #tpu.memory_space<vmem>>
        %dma_wait3A_562 = arith.constant 0 : i32
        %dma_wait3A_563 = arith.constant 0 : i32
        %dma_wait3A_564 = tpu.memref_slice %arg10[%dma_wait3A_562, %dma_wait3A_563] : memref<10008x128xf32, #tpu.memory_space<vmem_shared>> -> memref<10008x128xf32, #tpu.memory_space<vmem_shared>>
        tpu.wait_indirect_dma semaphore(%arg16 : memref<!tpu.dma_semaphore, #tpu.memory_space<semaphore_mem>>) src(%dma_wait3A_558 : memref<120x128xf32, #tpu.memory_space<vmem>>) dst(%dma_wait3A_564 : memref<10008x128xf32, #tpu.memory_space<vmem_shared>>)
      } else {
      }
      %add3A_421 = arith.constant 5 : i32
      %add3A_422 = arith.addi %add3A_415, %add3A_421 : i32
      %lt3A_423 = arith.constant 84 : i32
      %lt3A_424 = arith.cmpi slt, %add3A_422, %lt3A_423 : i32
      %convert_element_type3A_425 = arith.extui %lt3A_424 : i1 to i32
      %cond3A_426 = arith.constant 0 : i32
      %cond3A_427 = arith.cmpi ne, %convert_element_type3A_425, %cond3A_426 : i32
      scf.if %cond3A_427 {
        %add3A_553 = arith.constant 5 : i32
        %add3A_554 = arith.addi %add3A_415, %add3A_553 : i32
        %add3A_555 = arith.addi %mul3A_2, %add3A_554 : i32
        %dma_start3A_556 = arith.constant 2 : i32
        %dma_start3A_557 = arith.constant 0 : i32
        %dma_start3A_558 = tpu.memref_slice %arg7[%dma_start3A_556, %dma_start3A_557] : memref<6x120xi32, #tpu.memory_space<vmem>> -> memref<1x120xi32, #tpu.memory_space<vmem>>
        %dma_start3A_559 = tpu.memref_squeeze %dma_start3A_558 : memref<1x120xi32, #tpu.memory_space<vmem>> -> memref<120xi32, #tpu.memory_space<vmem>>
        %dma_start3A_560 = arith.constant 0 : i32
        %dma_start3A_561 = tpu.memref_slice %arg3[%add3A_555, %dma_start3A_560] : memref<2688x120xi32, #tpu.memory_space<hbm>> -> memref<1x120xi32, #tpu.memory_space<hbm>>
        %dma_start3A_562 = tpu.memref_squeeze %dma_start3A_561 : memref<1x120xi32, #tpu.memory_space<hbm>> -> memref<120xi32, #tpu.memory_space<hbm>>
        %dma_start3A_563 = arith.constant 0 : i32
        %dma_start3A_564 = tpu.memref_slice %arg7[%dma_start3A_556, %dma_start3A_563] : memref<6x120xi32, #tpu.memory_space<vmem>> -> memref<1x120xi32, #tpu.memory_space<vmem>>
        %dma_start3A_565 = tpu.memref_squeeze %dma_start3A_564 : memref<1x120xi32, #tpu.memory_space<vmem>> -> memref<120xi32, #tpu.memory_space<vmem>>
        %dma_start3A_566 = arith.constant 0 : i32
        %dma_start3A_567 = tpu.memref_slice %arg3[%add3A_555, %dma_start3A_566] : memref<2688x120xi32, #tpu.memory_space<hbm>> -> memref<1x120xi32, #tpu.memory_space<hbm>>
        %dma_start3A_568 = tpu.memref_squeeze %dma_start3A_567 : memref<1x120xi32, #tpu.memory_space<hbm>> -> memref<120xi32, #tpu.memory_space<hbm>>
        tpu.enqueue_dma source(%dma_start3A_568 : memref<120xi32, #tpu.memory_space<hbm>>) target(%dma_start3A_565 : memref<120xi32, #tpu.memory_space<vmem>>) target_semaphore(%arg19 : memref<!tpu.dma_semaphore, #tpu.memory_space<semaphore_mem>>)
        %add3A_569 = arith.addi %mul3A_2, %add3A_554 : i32
        %dma_start3A_570 = arith.constant 2 : i32
        %dma_start3A_571 = arith.constant 0 : i32
        %dma_start3A_572 = tpu.memref_slice %arg8[%dma_start3A_570, %dma_start3A_571] : memref<6x120xi32, #tpu.memory_space<vmem>> -> memref<1x120xi32, #tpu.memory_space<vmem>>
        %dma_start3A_573 = tpu.memref_squeeze %dma_start3A_572 : memref<1x120xi32, #tpu.memory_space<vmem>> -> memref<120xi32, #tpu.memory_space<vmem>>
        %dma_start3A_574 = arith.constant 0 : i32
        %dma_start3A_575 = tpu.memref_slice %arg4[%add3A_569, %dma_start3A_574] : memref<2688x120xi32, #tpu.memory_space<hbm>> -> memref<1x120xi32, #tpu.memory_space<hbm>>
        %dma_start3A_576 = tpu.memref_squeeze %dma_start3A_575 : memref<1x120xi32, #tpu.memory_space<hbm>> -> memref<120xi32, #tpu.memory_space<hbm>>
        %dma_start3A_577 = arith.constant 0 : i32
        %dma_start3A_578 = tpu.memref_slice %arg8[%dma_start3A_570, %dma_start3A_577] : memref<6x120xi32, #tpu.memory_space<vmem>> -> memref<1x120xi32, #tpu.memory_space<vmem>>
        %dma_start3A_579 = tpu.memref_squeeze %dma_start3A_578 : memref<1x120xi32, #tpu.memory_space<vmem>> -> memref<120xi32, #tpu.memory_space<vmem>>
        %dma_start3A_580 = arith.constant 0 : i32
        %dma_start3A_581 = tpu.memref_slice %arg4[%add3A_569, %dma_start3A_580] : memref<2688x120xi32, #tpu.memory_space<hbm>> -> memref<1x120xi32, #tpu.memory_space<hbm>>
        %dma_start3A_582 = tpu.memref_squeeze %dma_start3A_581 : memref<1x120xi32, #tpu.memory_space<hbm>> -> memref<120xi32, #tpu.memory_space<hbm>>
        tpu.enqueue_dma source(%dma_start3A_582 : memref<120xi32, #tpu.memory_space<hbm>>) target(%dma_start3A_579 : memref<120xi32, #tpu.memory_space<vmem>>) target_semaphore(%arg19 : memref<!tpu.dma_semaphore, #tpu.memory_space<semaphore_mem>>)
      } else {
      }
      %dma_wait3A_428 = arith.constant 3 : i32
      %dma_wait3A_429 = arith.constant 0 : i32
      %dma_wait3A_430 = arith.constant 0 : i32
      %dma_wait3A_431 = arith.constant 0 : i32
      %dma_wait3A_432 = tpu.memref_slice %arg9[%dma_wait3A_429, %dma_wait3A_430, %dma_wait3A_431] : memref<3x120x128xf32, #tpu.memory_space<vmem>> -> memref<1x120x128xf32, #tpu.memory_space<vmem>>
      %dma_wait3A_433 = tpu.memref_squeeze %dma_wait3A_432 : memref<1x120x128xf32, #tpu.memory_space<vmem>> -> memref<120x128xf32, #tpu.memory_space<vmem>>
      %dma_wait3A_434 = arith.constant 0 : i32
      %dma_wait3A_435 = tpu.memref_slice %arg7[%dma_wait3A_428, %dma_wait3A_434] : memref<6x120xi32, #tpu.memory_space<vmem>> -> memref<1x120xi32, #tpu.memory_space<vmem>>
      %dma_wait3A_436 = tpu.memref_squeeze %dma_wait3A_435 : memref<1x120xi32, #tpu.memory_space<vmem>> -> memref<120xi32, #tpu.memory_space<vmem>>
      %dma_wait3A_437 = arith.constant 0 : i32
      %dma_wait3A_438 = arith.constant 0 : i32
      %dma_wait3A_439 = tpu.memref_slice %arg2[%dma_wait3A_437, %dma_wait3A_438] : memref<10000x128xf32, #tpu.memory_space<hbm>> -> memref<10000x128xf32, #tpu.memory_space<hbm>>
      tpu.wait_indirect_dma semaphore(%arg11 : memref<!tpu.dma_semaphore, #tpu.memory_space<semaphore_mem>>) src(%dma_wait3A_439 : memref<10000x128xf32, #tpu.memory_space<hbm>>) dst(%dma_wait3A_433 : memref<120x128xf32, #tpu.memory_space<vmem>>)
      %dma_start3A_440 = arith.constant 0 : i32
      %dma_start3A_441 = arith.constant 3 : i32
      %dma_start3A_442 = arith.constant 0 : i32
      %dma_start3A_443 = arith.constant 0 : i32
      %dma_start3A_444 = tpu.memref_slice %arg9[%dma_start3A_440, %dma_start3A_442, %dma_start3A_443] : memref<3x120x128xf32, #tpu.memory_space<vmem>> -> memref<1x120x128xf32, #tpu.memory_space<vmem>>
      %dma_start3A_445 = tpu.memref_squeeze %dma_start3A_444 : memref<1x120x128xf32, #tpu.memory_space<vmem>> -> memref<120x128xf32, #tpu.memory_space<vmem>>
      %dma_start3A_446 = arith.constant 0 : i32
      %dma_start3A_447 = tpu.memref_slice %arg8[%dma_start3A_441, %dma_start3A_446] : memref<6x120xi32, #tpu.memory_space<vmem>> -> memref<1x120xi32, #tpu.memory_space<vmem>>
      %dma_start3A_448 = tpu.memref_squeeze %dma_start3A_447 : memref<1x120xi32, #tpu.memory_space<vmem>> -> memref<120xi32, #tpu.memory_space<vmem>>
      %dma_start3A_449 = arith.constant 0 : i32
      %dma_start3A_450 = arith.constant 0 : i32
      %dma_start3A_451 = tpu.memref_slice %arg10[%dma_start3A_449, %dma_start3A_450] : memref<10008x128xf32, #tpu.memory_space<vmem_shared>> -> memref<10008x128xf32, #tpu.memory_space<vmem_shared>>
      tpu.enqueue_indirect_dma source(%dma_start3A_445 : memref<120x128xf32, #tpu.memory_space<vmem>>) target(%dma_start3A_451 : memref<10008x128xf32, #tpu.memory_space<vmem_shared>>) offsets(%dma_start3A_448 : memref<120xi32, #tpu.memory_space<vmem>>) semaphore(%arg14 : memref<!tpu.dma_semaphore, #tpu.memory_space<semaphore_mem>>) {add = true}
      %add3A_452 = arith.constant 2 : i32
      %add3A_453 = arith.addi %add3A_415, %add3A_452 : i32
      %lt3A_454 = arith.constant 84 : i32
      %lt3A_455 = arith.cmpi slt, %add3A_453, %lt3A_454 : i32
      %convert_element_type3A_456 = arith.extui %lt3A_455 : i1 to i32
      %cond3A_457 = arith.constant 0 : i32
      %cond3A_458 = arith.cmpi ne, %convert_element_type3A_456, %cond3A_457 : i32
      scf.if %cond3A_458 {
        %add3A_553 = arith.constant 2 : i32
        %add3A_554 = arith.addi %add3A_415, %add3A_553 : i32
        %add3A_555 = arith.addi %mul3A_2, %add3A_554 : i32
        %dma_wait3A_556 = arith.constant 5 : i32
        %dma_wait3A_557 = arith.constant 0 : i32
        %dma_wait3A_558 = tpu.memref_slice %arg7[%dma_wait3A_556, %dma_wait3A_557] : memref<6x120xi32, #tpu.memory_space<vmem>> -> memref<1x120xi32, #tpu.memory_space<vmem>>
        %dma_wait3A_559 = tpu.memref_squeeze %dma_wait3A_558 : memref<1x120xi32, #tpu.memory_space<vmem>> -> memref<120xi32, #tpu.memory_space<vmem>>
        %dma_wait3A_560 = arith.constant 0 : i32
        %dma_wait3A_561 = tpu.memref_slice %arg3[%add3A_555, %dma_wait3A_560] : memref<2688x120xi32, #tpu.memory_space<hbm>> -> memref<1x120xi32, #tpu.memory_space<hbm>>
        %dma_wait3A_562 = tpu.memref_squeeze %dma_wait3A_561 : memref<1x120xi32, #tpu.memory_space<hbm>> -> memref<120xi32, #tpu.memory_space<hbm>>
        %dma_wait3A_563 = arith.constant 0 : i32
        %dma_wait3A_564 = tpu.memref_slice %arg7[%dma_wait3A_556, %dma_wait3A_563] : memref<6x120xi32, #tpu.memory_space<vmem>> -> memref<1x120xi32, #tpu.memory_space<vmem>>
        %dma_wait3A_565 = tpu.memref_squeeze %dma_wait3A_564 : memref<1x120xi32, #tpu.memory_space<vmem>> -> memref<120xi32, #tpu.memory_space<vmem>>
        %dma_wait3A_566 = arith.constant 0 : i32
        %dma_wait3A_567 = tpu.memref_slice %arg3[%add3A_555, %dma_wait3A_566] : memref<2688x120xi32, #tpu.memory_space<hbm>> -> memref<1x120xi32, #tpu.memory_space<hbm>>
        %dma_wait3A_568 = tpu.memref_squeeze %dma_wait3A_567 : memref<1x120xi32, #tpu.memory_space<hbm>> -> memref<120xi32, #tpu.memory_space<hbm>>
        tpu.wait_dma2 semaphore(%arg22 : memref<!tpu.dma_semaphore, #tpu.memory_space<semaphore_mem>>) src(%dma_wait3A_568 : memref<120xi32, #tpu.memory_space<hbm>>) dst(%dma_wait3A_565 : memref<120xi32, #tpu.memory_space<vmem>>)
        %add3A_569 = arith.addi %mul3A_2, %add3A_554 : i32
        %dma_wait3A_570 = arith.constant 5 : i32
        %dma_wait3A_571 = arith.constant 0 : i32
        %dma_wait3A_572 = tpu.memref_slice %arg8[%dma_wait3A_570, %dma_wait3A_571] : memref<6x120xi32, #tpu.memory_space<vmem>> -> memref<1x120xi32, #tpu.memory_space<vmem>>
        %dma_wait3A_573 = tpu.memref_squeeze %dma_wait3A_572 : memref<1x120xi32, #tpu.memory_space<vmem>> -> memref<120xi32, #tpu.memory_space<vmem>>
        %dma_wait3A_574 = arith.constant 0 : i32
        %dma_wait3A_575 = tpu.memref_slice %arg4[%add3A_569, %dma_wait3A_574] : memref<2688x120xi32, #tpu.memory_space<hbm>> -> memref<1x120xi32, #tpu.memory_space<hbm>>
        %dma_wait3A_576 = tpu.memref_squeeze %dma_wait3A_575 : memref<1x120xi32, #tpu.memory_space<hbm>> -> memref<120xi32, #tpu.memory_space<hbm>>
        %dma_wait3A_577 = arith.constant 0 : i32
        %dma_wait3A_578 = tpu.memref_slice %arg8[%dma_wait3A_570, %dma_wait3A_577] : memref<6x120xi32, #tpu.memory_space<vmem>> -> memref<1x120xi32, #tpu.memory_space<vmem>>
        %dma_wait3A_579 = tpu.memref_squeeze %dma_wait3A_578 : memref<1x120xi32, #tpu.memory_space<vmem>> -> memref<120xi32, #tpu.memory_space<vmem>>
        %dma_wait3A_580 = arith.constant 0 : i32
        %dma_wait3A_581 = tpu.memref_slice %arg4[%add3A_569, %dma_wait3A_580] : memref<2688x120xi32, #tpu.memory_space<hbm>> -> memref<1x120xi32, #tpu.memory_space<hbm>>
        %dma_wait3A_582 = tpu.memref_squeeze %dma_wait3A_581 : memref<1x120xi32, #tpu.memory_space<hbm>> -> memref<120xi32, #tpu.memory_space<hbm>>
        tpu.wait_dma2 semaphore(%arg22 : memref<!tpu.dma_semaphore, #tpu.memory_space<semaphore_mem>>) src(%dma_wait3A_582 : memref<120xi32, #tpu.memory_space<hbm>>) dst(%dma_wait3A_579 : memref<120xi32, #tpu.memory_space<vmem>>)
        %dma_start3A_583 = arith.constant 5 : i32
        %dma_start3A_584 = arith.constant 2 : i32
        %dma_start3A_585 = arith.constant 0 : i32
        %dma_start3A_586 = arith.constant 0 : i32
        %dma_start3A_587 = tpu.memref_slice %arg9[%dma_start3A_584, %dma_start3A_585, %dma_start3A_586] : memref<3x120x128xf32, #tpu.memory_space<vmem>> -> memref<1x120x128xf32, #tpu.memory_space<vmem>>
        %dma_start3A_588 = tpu.memref_squeeze %dma_start3A_587 : memref<1x120x128xf32, #tpu.memory_space<vmem>> -> memref<120x128xf32, #tpu.memory_space<vmem>>
        %dma_start3A_589 = arith.constant 0 : i32
        %dma_start3A_590 = tpu.memref_slice %arg7[%dma_start3A_583, %dma_start3A_589] : memref<6x120xi32, #tpu.memory_space<vmem>> -> memref<1x120xi32, #tpu.memory_space<vmem>>
        %dma_start3A_591 = tpu.memref_squeeze %dma_start3A_590 : memref<1x120xi32, #tpu.memory_space<vmem>> -> memref<120xi32, #tpu.memory_space<vmem>>
        %dma_start3A_592 = arith.constant 0 : i32
        %dma_start3A_593 = arith.constant 0 : i32
        %dma_start3A_594 = tpu.memref_slice %arg2[%dma_start3A_592, %dma_start3A_593] : memref<10000x128xf32, #tpu.memory_space<hbm>> -> memref<10000x128xf32, #tpu.memory_space<hbm>>
        tpu.enqueue_indirect_dma source(%dma_start3A_594 : memref<10000x128xf32, #tpu.memory_space<hbm>>) target(%dma_start3A_588 : memref<120x128xf32, #tpu.memory_space<vmem>>) offsets(%dma_start3A_591 : memref<120xi32, #tpu.memory_space<vmem>>) semaphore(%arg13 : memref<!tpu.dma_semaphore, #tpu.memory_space<semaphore_mem>>)
      } else {
      }
      %mul3A_459 = arith.constant 6 : i32
      %mul3A_460 = arith.muli %scan3A_271, %mul3A_459 : i32
      %add3A_461 = arith.constant 4 : i32
      %add3A_462 = arith.addi %mul3A_460, %add3A_461 : i32
      %ge3A_463 = arith.constant 1 : i32
      %ge3A_464 = arith.cmpi sge, %add3A_462, %ge3A_463 : i32
      %convert_element_type3A_465 = arith.extui %ge3A_464 : i1 to i32
      %cond3A_466 = arith.constant 0 : i32
      %cond3A_467 = arith.cmpi ne, %convert_element_type3A_465, %cond3A_466 : i32
      scf.if %cond3A_467 {
        %dma_wait3A_553 = arith.constant 0 : i32
        %dma_wait3A_554 = arith.constant 3 : i32
        %dma_wait3A_555 = arith.constant 0 : i32
        %dma_wait3A_556 = arith.constant 0 : i32
        %dma_wait3A_557 = tpu.memref_slice %arg9[%dma_wait3A_553, %dma_wait3A_555, %dma_wait3A_556] : memref<3x120x128xf32, #tpu.memory_space<vmem>> -> memref<1x120x128xf32, #tpu.memory_space<vmem>>
        %dma_wait3A_558 = tpu.memref_squeeze %dma_wait3A_557 : memref<1x120x128xf32, #tpu.memory_space<vmem>> -> memref<120x128xf32, #tpu.memory_space<vmem>>
        %dma_wait3A_559 = arith.constant 0 : i32
        %dma_wait3A_560 = tpu.memref_slice %arg8[%dma_wait3A_554, %dma_wait3A_559] : memref<6x120xi32, #tpu.memory_space<vmem>> -> memref<1x120xi32, #tpu.memory_space<vmem>>
        %dma_wait3A_561 = tpu.memref_squeeze %dma_wait3A_560 : memref<1x120xi32, #tpu.memory_space<vmem>> -> memref<120xi32, #tpu.memory_space<vmem>>
        %dma_wait3A_562 = arith.constant 0 : i32
        %dma_wait3A_563 = arith.constant 0 : i32
        %dma_wait3A_564 = tpu.memref_slice %arg10[%dma_wait3A_562, %dma_wait3A_563] : memref<10008x128xf32, #tpu.memory_space<vmem_shared>> -> memref<10008x128xf32, #tpu.memory_space<vmem_shared>>
        tpu.wait_indirect_dma semaphore(%arg14 : memref<!tpu.dma_semaphore, #tpu.memory_space<semaphore_mem>>) src(%dma_wait3A_558 : memref<120x128xf32, #tpu.memory_space<vmem>>) dst(%dma_wait3A_564 : memref<10008x128xf32, #tpu.memory_space<vmem_shared>>)
      } else {
      }
      %add3A_468 = arith.constant 5 : i32
      %add3A_469 = arith.addi %add3A_462, %add3A_468 : i32
      %lt3A_470 = arith.constant 84 : i32
      %lt3A_471 = arith.cmpi slt, %add3A_469, %lt3A_470 : i32
      %convert_element_type3A_472 = arith.extui %lt3A_471 : i1 to i32
      %cond3A_473 = arith.constant 0 : i32
      %cond3A_474 = arith.cmpi ne, %convert_element_type3A_472, %cond3A_473 : i32
      scf.if %cond3A_474 {
        %add3A_553 = arith.constant 5 : i32
        %add3A_554 = arith.addi %add3A_462, %add3A_553 : i32
        %add3A_555 = arith.addi %mul3A_2, %add3A_554 : i32
        %dma_start3A_556 = arith.constant 3 : i32
        %dma_start3A_557 = arith.constant 0 : i32
        %dma_start3A_558 = tpu.memref_slice %arg7[%dma_start3A_556, %dma_start3A_557] : memref<6x120xi32, #tpu.memory_space<vmem>> -> memref<1x120xi32, #tpu.memory_space<vmem>>
        %dma_start3A_559 = tpu.memref_squeeze %dma_start3A_558 : memref<1x120xi32, #tpu.memory_space<vmem>> -> memref<120xi32, #tpu.memory_space<vmem>>
        %dma_start3A_560 = arith.constant 0 : i32
        %dma_start3A_561 = tpu.memref_slice %arg3[%add3A_555, %dma_start3A_560] : memref<2688x120xi32, #tpu.memory_space<hbm>> -> memref<1x120xi32, #tpu.memory_space<hbm>>
        %dma_start3A_562 = tpu.memref_squeeze %dma_start3A_561 : memref<1x120xi32, #tpu.memory_space<hbm>> -> memref<120xi32, #tpu.memory_space<hbm>>
        %dma_start3A_563 = arith.constant 0 : i32
        %dma_start3A_564 = tpu.memref_slice %arg7[%dma_start3A_556, %dma_start3A_563] : memref<6x120xi32, #tpu.memory_space<vmem>> -> memref<1x120xi32, #tpu.memory_space<vmem>>
        %dma_start3A_565 = tpu.memref_squeeze %dma_start3A_564 : memref<1x120xi32, #tpu.memory_space<vmem>> -> memref<120xi32, #tpu.memory_space<vmem>>
        %dma_start3A_566 = arith.constant 0 : i32
        %dma_start3A_567 = tpu.memref_slice %arg3[%add3A_555, %dma_start3A_566] : memref<2688x120xi32, #tpu.memory_space<hbm>> -> memref<1x120xi32, #tpu.memory_space<hbm>>
        %dma_start3A_568 = tpu.memref_squeeze %dma_start3A_567 : memref<1x120xi32, #tpu.memory_space<hbm>> -> memref<120xi32, #tpu.memory_space<hbm>>
        tpu.enqueue_dma source(%dma_start3A_568 : memref<120xi32, #tpu.memory_space<hbm>>) target(%dma_start3A_565 : memref<120xi32, #tpu.memory_space<vmem>>) target_semaphore(%arg20 : memref<!tpu.dma_semaphore, #tpu.memory_space<semaphore_mem>>)
        %add3A_569 = arith.addi %mul3A_2, %add3A_554 : i32
        %dma_start3A_570 = arith.constant 3 : i32
        %dma_start3A_571 = arith.constant 0 : i32
        %dma_start3A_572 = tpu.memref_slice %arg8[%dma_start3A_570, %dma_start3A_571] : memref<6x120xi32, #tpu.memory_space<vmem>> -> memref<1x120xi32, #tpu.memory_space<vmem>>
        %dma_start3A_573 = tpu.memref_squeeze %dma_start3A_572 : memref<1x120xi32, #tpu.memory_space<vmem>> -> memref<120xi32, #tpu.memory_space<vmem>>
        %dma_start3A_574 = arith.constant 0 : i32
        %dma_start3A_575 = tpu.memref_slice %arg4[%add3A_569, %dma_start3A_574] : memref<2688x120xi32, #tpu.memory_space<hbm>> -> memref<1x120xi32, #tpu.memory_space<hbm>>
        %dma_start3A_576 = tpu.memref_squeeze %dma_start3A_575 : memref<1x120xi32, #tpu.memory_space<hbm>> -> memref<120xi32, #tpu.memory_space<hbm>>
        %dma_start3A_577 = arith.constant 0 : i32
        %dma_start3A_578 = tpu.memref_slice %arg8[%dma_start3A_570, %dma_start3A_577] : memref<6x120xi32, #tpu.memory_space<vmem>> -> memref<1x120xi32, #tpu.memory_space<vmem>>
        %dma_start3A_579 = tpu.memref_squeeze %dma_start3A_578 : memref<1x120xi32, #tpu.memory_space<vmem>> -> memref<120xi32, #tpu.memory_space<vmem>>
        %dma_start3A_580 = arith.constant 0 : i32
        %dma_start3A_581 = tpu.memref_slice %arg4[%add3A_569, %dma_start3A_580] : memref<2688x120xi32, #tpu.memory_space<hbm>> -> memref<1x120xi32, #tpu.memory_space<hbm>>
        %dma_start3A_582 = tpu.memref_squeeze %dma_start3A_581 : memref<1x120xi32, #tpu.memory_space<hbm>> -> memref<120xi32, #tpu.memory_space<hbm>>
        tpu.enqueue_dma source(%dma_start3A_582 : memref<120xi32, #tpu.memory_space<hbm>>) target(%dma_start3A_579 : memref<120xi32, #tpu.memory_space<vmem>>) target_semaphore(%arg20 : memref<!tpu.dma_semaphore, #tpu.memory_space<semaphore_mem>>)
      } else {
      }
      %dma_wait3A_475 = arith.constant 4 : i32
      %dma_wait3A_476 = arith.constant 1 : i32
      %dma_wait3A_477 = arith.constant 0 : i32
      %dma_wait3A_478 = arith.constant 0 : i32
      %dma_wait3A_479 = tpu.memref_slice %arg9[%dma_wait3A_476, %dma_wait3A_477, %dma_wait3A_478] : memref<3x120x128xf32, #tpu.memory_space<vmem>> -> memref<1x120x128xf32, #tpu.memory_space<vmem>>
      %dma_wait3A_480 = tpu.memref_squeeze %dma_wait3A_479 : memref<1x120x128xf32, #tpu.memory_space<vmem>> -> memref<120x128xf32, #tpu.memory_space<vmem>>
      %dma_wait3A_481 = arith.constant 0 : i32
      %dma_wait3A_482 = tpu.memref_slice %arg7[%dma_wait3A_475, %dma_wait3A_481] : memref<6x120xi32, #tpu.memory_space<vmem>> -> memref<1x120xi32, #tpu.memory_space<vmem>>
      %dma_wait3A_483 = tpu.memref_squeeze %dma_wait3A_482 : memref<1x120xi32, #tpu.memory_space<vmem>> -> memref<120xi32, #tpu.memory_space<vmem>>
      %dma_wait3A_484 = arith.constant 0 : i32
      %dma_wait3A_485 = arith.constant 0 : i32
      %dma_wait3A_486 = tpu.memref_slice %arg2[%dma_wait3A_484, %dma_wait3A_485] : memref<10000x128xf32, #tpu.memory_space<hbm>> -> memref<10000x128xf32, #tpu.memory_space<hbm>>
      tpu.wait_indirect_dma semaphore(%arg12 : memref<!tpu.dma_semaphore, #tpu.memory_space<semaphore_mem>>) src(%dma_wait3A_486 : memref<10000x128xf32, #tpu.memory_space<hbm>>) dst(%dma_wait3A_480 : memref<120x128xf32, #tpu.memory_space<vmem>>)
      %dma_start3A_487 = arith.constant 1 : i32
      %dma_start3A_488 = arith.constant 4 : i32
      %dma_start3A_489 = arith.constant 0 : i32
      %dma_start3A_490 = arith.constant 0 : i32
      %dma_start3A_491 = tpu.memref_slice %arg9[%dma_start3A_487, %dma_start3A_489, %dma_start3A_490] : memref<3x120x128xf32, #tpu.memory_space<vmem>> -> memref<1x120x128xf32, #tpu.memory_space<vmem>>
      %dma_start3A_492 = tpu.memref_squeeze %dma_start3A_491 : memref<1x120x128xf32, #tpu.memory_space<vmem>> -> memref<120x128xf32, #tpu.memory_space<vmem>>
      %dma_start3A_493 = arith.constant 0 : i32
      %dma_start3A_494 = tpu.memref_slice %arg8[%dma_start3A_488, %dma_start3A_493] : memref<6x120xi32, #tpu.memory_space<vmem>> -> memref<1x120xi32, #tpu.memory_space<vmem>>
      %dma_start3A_495 = tpu.memref_squeeze %dma_start3A_494 : memref<1x120xi32, #tpu.memory_space<vmem>> -> memref<120xi32, #tpu.memory_space<vmem>>
      %dma_start3A_496 = arith.constant 0 : i32
      %dma_start3A_497 = arith.constant 0 : i32
      %dma_start3A_498 = tpu.memref_slice %arg10[%dma_start3A_496, %dma_start3A_497] : memref<10008x128xf32, #tpu.memory_space<vmem_shared>> -> memref<10008x128xf32, #tpu.memory_space<vmem_shared>>
      tpu.enqueue_indirect_dma source(%dma_start3A_492 : memref<120x128xf32, #tpu.memory_space<vmem>>) target(%dma_start3A_498 : memref<10008x128xf32, #tpu.memory_space<vmem_shared>>) offsets(%dma_start3A_495 : memref<120xi32, #tpu.memory_space<vmem>>) semaphore(%arg15 : memref<!tpu.dma_semaphore, #tpu.memory_space<semaphore_mem>>) {add = true}
      %add3A_499 = arith.constant 2 : i32
      %add3A_500 = arith.addi %add3A_462, %add3A_499 : i32
      %lt3A_501 = arith.constant 84 : i32
      %lt3A_502 = arith.cmpi slt, %add3A_500, %lt3A_501 : i32
      %convert_element_type3A_503 = arith.extui %lt3A_502 : i1 to i32
      %cond3A_504 = arith.constant 0 : i32
      %cond3A_505 = arith.cmpi ne, %convert_element_type3A_503, %cond3A_504 : i32
      scf.if %cond3A_505 {
        %add3A_553 = arith.constant 2 : i32
        %add3A_554 = arith.addi %add3A_462, %add3A_553 : i32
        %add3A_555 = arith.addi %mul3A_2, %add3A_554 : i32
        %dma_wait3A_556 = arith.constant 0 : i32
        %dma_wait3A_557 = arith.constant 0 : i32
        %dma_wait3A_558 = tpu.memref_slice %arg7[%dma_wait3A_556, %dma_wait3A_557] : memref<6x120xi32, #tpu.memory_space<vmem>> -> memref<1x120xi32, #tpu.memory_space<vmem>>
        %dma_wait3A_559 = tpu.memref_squeeze %dma_wait3A_558 : memref<1x120xi32, #tpu.memory_space<vmem>> -> memref<120xi32, #tpu.memory_space<vmem>>
        %dma_wait3A_560 = arith.constant 0 : i32
        %dma_wait3A_561 = tpu.memref_slice %arg3[%add3A_555, %dma_wait3A_560] : memref<2688x120xi32, #tpu.memory_space<hbm>> -> memref<1x120xi32, #tpu.memory_space<hbm>>
        %dma_wait3A_562 = tpu.memref_squeeze %dma_wait3A_561 : memref<1x120xi32, #tpu.memory_space<hbm>> -> memref<120xi32, #tpu.memory_space<hbm>>
        %dma_wait3A_563 = arith.constant 0 : i32
        %dma_wait3A_564 = tpu.memref_slice %arg7[%dma_wait3A_556, %dma_wait3A_563] : memref<6x120xi32, #tpu.memory_space<vmem>> -> memref<1x120xi32, #tpu.memory_space<vmem>>
        %dma_wait3A_565 = tpu.memref_squeeze %dma_wait3A_564 : memref<1x120xi32, #tpu.memory_space<vmem>> -> memref<120xi32, #tpu.memory_space<vmem>>
        %dma_wait3A_566 = arith.constant 0 : i32
        %dma_wait3A_567 = tpu.memref_slice %arg3[%add3A_555, %dma_wait3A_566] : memref<2688x120xi32, #tpu.memory_space<hbm>> -> memref<1x120xi32, #tpu.memory_space<hbm>>
        %dma_wait3A_568 = tpu.memref_squeeze %dma_wait3A_567 : memref<1x120xi32, #tpu.memory_space<hbm>> -> memref<120xi32, #tpu.memory_space<hbm>>
        tpu.wait_dma2 semaphore(%arg17 : memref<!tpu.dma_semaphore, #tpu.memory_space<semaphore_mem>>) src(%dma_wait3A_568 : memref<120xi32, #tpu.memory_space<hbm>>) dst(%dma_wait3A_565 : memref<120xi32, #tpu.memory_space<vmem>>)
        %add3A_569 = arith.addi %mul3A_2, %add3A_554 : i32
        %dma_wait3A_570 = arith.constant 0 : i32
        %dma_wait3A_571 = arith.constant 0 : i32
        %dma_wait3A_572 = tpu.memref_slice %arg8[%dma_wait3A_570, %dma_wait3A_571] : memref<6x120xi32, #tpu.memory_space<vmem>> -> memref<1x120xi32, #tpu.memory_space<vmem>>
        %dma_wait3A_573 = tpu.memref_squeeze %dma_wait3A_572 : memref<1x120xi32, #tpu.memory_space<vmem>> -> memref<120xi32, #tpu.memory_space<vmem>>
        %dma_wait3A_574 = arith.constant 0 : i32
        %dma_wait3A_575 = tpu.memref_slice %arg4[%add3A_569, %dma_wait3A_574] : memref<2688x120xi32, #tpu.memory_space<hbm>> -> memref<1x120xi32, #tpu.memory_space<hbm>>
        %dma_wait3A_576 = tpu.memref_squeeze %dma_wait3A_575 : memref<1x120xi32, #tpu.memory_space<hbm>> -> memref<120xi32, #tpu.memory_space<hbm>>
        %dma_wait3A_577 = arith.constant 0 : i32
        %dma_wait3A_578 = tpu.memref_slice %arg8[%dma_wait3A_570, %dma_wait3A_577] : memref<6x120xi32, #tpu.memory_space<vmem>> -> memref<1x120xi32, #tpu.memory_space<vmem>>
        %dma_wait3A_579 = tpu.memref_squeeze %dma_wait3A_578 : memref<1x120xi32, #tpu.memory_space<vmem>> -> memref<120xi32, #tpu.memory_space<vmem>>
        %dma_wait3A_580 = arith.constant 0 : i32
        %dma_wait3A_581 = tpu.memref_slice %arg4[%add3A_569, %dma_wait3A_580] : memref<2688x120xi32, #tpu.memory_space<hbm>> -> memref<1x120xi32, #tpu.memory_space<hbm>>
        %dma_wait3A_582 = tpu.memref_squeeze %dma_wait3A_581 : memref<1x120xi32, #tpu.memory_space<hbm>> -> memref<120xi32, #tpu.memory_space<hbm>>
        tpu.wait_dma2 semaphore(%arg17 : memref<!tpu.dma_semaphore, #tpu.memory_space<semaphore_mem>>) src(%dma_wait3A_582 : memref<120xi32, #tpu.memory_space<hbm>>) dst(%dma_wait3A_579 : memref<120xi32, #tpu.memory_space<vmem>>)
        %dma_start3A_583 = arith.constant 0 : i32
        %dma_start3A_584 = arith.constant 0 : i32
        %dma_start3A_585 = arith.constant 0 : i32
        %dma_start3A_586 = arith.constant 0 : i32
        %dma_start3A_587 = tpu.memref_slice %arg9[%dma_start3A_584, %dma_start3A_585, %dma_start3A_586] : memref<3x120x128xf32, #tpu.memory_space<vmem>> -> memref<1x120x128xf32, #tpu.memory_space<vmem>>
        %dma_start3A_588 = tpu.memref_squeeze %dma_start3A_587 : memref<1x120x128xf32, #tpu.memory_space<vmem>> -> memref<120x128xf32, #tpu.memory_space<vmem>>
        %dma_start3A_589 = arith.constant 0 : i32
        %dma_start3A_590 = tpu.memref_slice %arg7[%dma_start3A_583, %dma_start3A_589] : memref<6x120xi32, #tpu.memory_space<vmem>> -> memref<1x120xi32, #tpu.memory_space<vmem>>
        %dma_start3A_591 = tpu.memref_squeeze %dma_start3A_590 : memref<1x120xi32, #tpu.memory_space<vmem>> -> memref<120xi32, #tpu.memory_space<vmem>>
        %dma_start3A_592 = arith.constant 0 : i32
        %dma_start3A_593 = arith.constant 0 : i32
        %dma_start3A_594 = tpu.memref_slice %arg2[%dma_start3A_592, %dma_start3A_593] : memref<10000x128xf32, #tpu.memory_space<hbm>> -> memref<10000x128xf32, #tpu.memory_space<hbm>>
        tpu.enqueue_indirect_dma source(%dma_start3A_594 : memref<10000x128xf32, #tpu.memory_space<hbm>>) target(%dma_start3A_588 : memref<120x128xf32, #tpu.memory_space<vmem>>) offsets(%dma_start3A_591 : memref<120xi32, #tpu.memory_space<vmem>>) semaphore(%arg11 : memref<!tpu.dma_semaphore, #tpu.memory_space<semaphore_mem>>)
      } else {
      }
      %mul3A_506 = arith.constant 6 : i32
      %mul3A_507 = arith.muli %scan3A_271, %mul3A_506 : i32
      %add3A_508 = arith.constant 5 : i32
      %add3A_509 = arith.addi %mul3A_507, %add3A_508 : i32
      %ge3A_510 = arith.constant 1 : i32
      %ge3A_511 = arith.cmpi sge, %add3A_509, %ge3A_510 : i32
      %convert_element_type3A_512 = arith.extui %ge3A_511 : i1 to i32
      %cond3A_513 = arith.constant 0 : i32
      %cond3A_514 = arith.cmpi ne, %convert_element_type3A_512, %cond3A_513 : i32
      scf.if %cond3A_514 {
        %dma_wait3A_553 = arith.constant 1 : i32
        %dma_wait3A_554 = arith.constant 4 : i32
        %dma_wait3A_555 = arith.constant 0 : i32
        %dma_wait3A_556 = arith.constant 0 : i32
        %dma_wait3A_557 = tpu.memref_slice %arg9[%dma_wait3A_553, %dma_wait3A_555, %dma_wait3A_556] : memref<3x120x128xf32, #tpu.memory_space<vmem>> -> memref<1x120x128xf32, #tpu.memory_space<vmem>>
        %dma_wait3A_558 = tpu.memref_squeeze %dma_wait3A_557 : memref<1x120x128xf32, #tpu.memory_space<vmem>> -> memref<120x128xf32, #tpu.memory_space<vmem>>
        %dma_wait3A_559 = arith.constant 0 : i32
        %dma_wait3A_560 = tpu.memref_slice %arg8[%dma_wait3A_554, %dma_wait3A_559] : memref<6x120xi32, #tpu.memory_space<vmem>> -> memref<1x120xi32, #tpu.memory_space<vmem>>
        %dma_wait3A_561 = tpu.memref_squeeze %dma_wait3A_560 : memref<1x120xi32, #tpu.memory_space<vmem>> -> memref<120xi32, #tpu.memory_space<vmem>>
        %dma_wait3A_562 = arith.constant 0 : i32
        %dma_wait3A_563 = arith.constant 0 : i32
        %dma_wait3A_564 = tpu.memref_slice %arg10[%dma_wait3A_562, %dma_wait3A_563] : memref<10008x128xf32, #tpu.memory_space<vmem_shared>> -> memref<10008x128xf32, #tpu.memory_space<vmem_shared>>
        tpu.wait_indirect_dma semaphore(%arg15 : memref<!tpu.dma_semaphore, #tpu.memory_space<semaphore_mem>>) src(%dma_wait3A_558 : memref<120x128xf32, #tpu.memory_space<vmem>>) dst(%dma_wait3A_564 : memref<10008x128xf32, #tpu.memory_space<vmem_shared>>)
      } else {
      }
      %add3A_515 = arith.constant 5 : i32
      %add3A_516 = arith.addi %add3A_509, %add3A_515 : i32
      %lt3A_517 = arith.constant 84 : i32
      %lt3A_518 = arith.cmpi slt, %add3A_516, %lt3A_517 : i32
      %convert_element_type3A_519 = arith.extui %lt3A_518 : i1 to i32
      %cond3A_520 = arith.constant 0 : i32
      %cond3A_521 = arith.cmpi ne, %convert_element_type3A_519, %cond3A_520 : i32
      scf.if %cond3A_521 {
        %add3A_553 = arith.constant 5 : i32
        %add3A_554 = arith.addi %add3A_509, %add3A_553 : i32
        %add3A_555 = arith.addi %mul3A_2, %add3A_554 : i32
        %dma_start3A_556 = arith.constant 4 : i32
        %dma_start3A_557 = arith.constant 0 : i32
        %dma_start3A_558 = tpu.memref_slice %arg7[%dma_start3A_556, %dma_start3A_557] : memref<6x120xi32, #tpu.memory_space<vmem>> -> memref<1x120xi32, #tpu.memory_space<vmem>>
        %dma_start3A_559 = tpu.memref_squeeze %dma_start3A_558 : memref<1x120xi32, #tpu.memory_space<vmem>> -> memref<120xi32, #tpu.memory_space<vmem>>
        %dma_start3A_560 = arith.constant 0 : i32
        %dma_start3A_561 = tpu.memref_slice %arg3[%add3A_555, %dma_start3A_560] : memref<2688x120xi32, #tpu.memory_space<hbm>> -> memref<1x120xi32, #tpu.memory_space<hbm>>
        %dma_start3A_562 = tpu.memref_squeeze %dma_start3A_561 : memref<1x120xi32, #tpu.memory_space<hbm>> -> memref<120xi32, #tpu.memory_space<hbm>>
        %dma_start3A_563 = arith.constant 0 : i32
        %dma_start3A_564 = tpu.memref_slice %arg7[%dma_start3A_556, %dma_start3A_563] : memref<6x120xi32, #tpu.memory_space<vmem>> -> memref<1x120xi32, #tpu.memory_space<vmem>>
        %dma_start3A_565 = tpu.memref_squeeze %dma_start3A_564 : memref<1x120xi32, #tpu.memory_space<vmem>> -> memref<120xi32, #tpu.memory_space<vmem>>
        %dma_start3A_566 = arith.constant 0 : i32
        %dma_start3A_567 = tpu.memref_slice %arg3[%add3A_555, %dma_start3A_566] : memref<2688x120xi32, #tpu.memory_space<hbm>> -> memref<1x120xi32, #tpu.memory_space<hbm>>
        %dma_start3A_568 = tpu.memref_squeeze %dma_start3A_567 : memref<1x120xi32, #tpu.memory_space<hbm>> -> memref<120xi32, #tpu.memory_space<hbm>>
        tpu.enqueue_dma source(%dma_start3A_568 : memref<120xi32, #tpu.memory_space<hbm>>) target(%dma_start3A_565 : memref<120xi32, #tpu.memory_space<vmem>>) target_semaphore(%arg21 : memref<!tpu.dma_semaphore, #tpu.memory_space<semaphore_mem>>)
        %add3A_569 = arith.addi %mul3A_2, %add3A_554 : i32
        %dma_start3A_570 = arith.constant 4 : i32
        %dma_start3A_571 = arith.constant 0 : i32
        %dma_start3A_572 = tpu.memref_slice %arg8[%dma_start3A_570, %dma_start3A_571] : memref<6x120xi32, #tpu.memory_space<vmem>> -> memref<1x120xi32, #tpu.memory_space<vmem>>
        %dma_start3A_573 = tpu.memref_squeeze %dma_start3A_572 : memref<1x120xi32, #tpu.memory_space<vmem>> -> memref<120xi32, #tpu.memory_space<vmem>>
        %dma_start3A_574 = arith.constant 0 : i32
        %dma_start3A_575 = tpu.memref_slice %arg4[%add3A_569, %dma_start3A_574] : memref<2688x120xi32, #tpu.memory_space<hbm>> -> memref<1x120xi32, #tpu.memory_space<hbm>>
        %dma_start3A_576 = tpu.memref_squeeze %dma_start3A_575 : memref<1x120xi32, #tpu.memory_space<hbm>> -> memref<120xi32, #tpu.memory_space<hbm>>
        %dma_start3A_577 = arith.constant 0 : i32
        %dma_start3A_578 = tpu.memref_slice %arg8[%dma_start3A_570, %dma_start3A_577] : memref<6x120xi32, #tpu.memory_space<vmem>> -> memref<1x120xi32, #tpu.memory_space<vmem>>
        %dma_start3A_579 = tpu.memref_squeeze %dma_start3A_578 : memref<1x120xi32, #tpu.memory_space<vmem>> -> memref<120xi32, #tpu.memory_space<vmem>>
        %dma_start3A_580 = arith.constant 0 : i32
        %dma_start3A_581 = tpu.memref_slice %arg4[%add3A_569, %dma_start3A_580] : memref<2688x120xi32, #tpu.memory_space<hbm>> -> memref<1x120xi32, #tpu.memory_space<hbm>>
        %dma_start3A_582 = tpu.memref_squeeze %dma_start3A_581 : memref<1x120xi32, #tpu.memory_space<hbm>> -> memref<120xi32, #tpu.memory_space<hbm>>
        tpu.enqueue_dma source(%dma_start3A_582 : memref<120xi32, #tpu.memory_space<hbm>>) target(%dma_start3A_579 : memref<120xi32, #tpu.memory_space<vmem>>) target_semaphore(%arg21 : memref<!tpu.dma_semaphore, #tpu.memory_space<semaphore_mem>>)
      } else {
      }
      %dma_wait3A_522 = arith.constant 5 : i32
      %dma_wait3A_523 = arith.constant 2 : i32
      %dma_wait3A_524 = arith.constant 0 : i32
      %dma_wait3A_525 = arith.constant 0 : i32
      %dma_wait3A_526 = tpu.memref_slice %arg9[%dma_wait3A_523, %dma_wait3A_524, %dma_wait3A_525] : memref<3x120x128xf32, #tpu.memory_space<vmem>> -> memref<1x120x128xf32, #tpu.memory_space<vmem>>
      %dma_wait3A_527 = tpu.memref_squeeze %dma_wait3A_526 : memref<1x120x128xf32, #tpu.memory_space<vmem>> -> memref<120x128xf32, #tpu.memory_space<vmem>>
      %dma_wait3A_528 = arith.constant 0 : i32
      %dma_wait3A_529 = tpu.memref_slice %arg7[%dma_wait3A_522, %dma_wait3A_528] : memref<6x120xi32, #tpu.memory_space<vmem>> -> memref<1x120xi32, #tpu.memory_space<vmem>>
      %dma_wait3A_530 = tpu.memref_squeeze %dma_wait3A_529 : memref<1x120xi32, #tpu.memory_space<vmem>> -> memref<120xi32, #tpu.memory_space<vmem>>
      %dma_wait3A_531 = arith.constant 0 : i32
      %dma_wait3A_532 = arith.constant 0 : i32
      %dma_wait3A_533 = tpu.memref_slice %arg2[%dma_wait3A_531, %dma_wait3A_532] : memref<10000x128xf32, #tpu.memory_space<hbm>> -> memref<10000x128xf32, #tpu.memory_space<hbm>>
      tpu.wait_indirect_dma semaphore(%arg13 : memref<!tpu.dma_semaphore, #tpu.memory_space<semaphore_mem>>) src(%dma_wait3A_533 : memref<10000x128xf32, #tpu.memory_space<hbm>>) dst(%dma_wait3A_527 : memref<120x128xf32, #tpu.memory_space<vmem>>)
      %dma_start3A_534 = arith.constant 2 : i32
      %dma_start3A_535 = arith.constant 5 : i32
      %dma_start3A_536 = arith.constant 0 : i32
      %dma_start3A_537 = arith.constant 0 : i32
      %dma_start3A_538 = tpu.memref_slice %arg9[%dma_start3A_534, %dma_start3A_536, %dma_start3A_537] : memref<3x120x128xf32, #tpu.memory_space<vmem>> -> memref<1x120x128xf32, #tpu.memory_space<vmem>>
      %dma_start3A_539 = tpu.memref_squeeze %dma_start3A_538 : memref<1x120x128xf32, #tpu.memory_space<vmem>> -> memref<120x128xf32, #tpu.memory_space<vmem>>
      %dma_start3A_540 = arith.constant 0 : i32
      %dma_start3A_541 = tpu.memref_slice %arg8[%dma_start3A_535, %dma_start3A_540] : memref<6x120xi32, #tpu.memory_space<vmem>> -> memref<1x120xi32, #tpu.memory_space<vmem>>
      %dma_start3A_542 = tpu.memref_squeeze %dma_start3A_541 : memref<1x120xi32, #tpu.memory_space<vmem>> -> memref<120xi32, #tpu.memory_space<vmem>>
      %dma_start3A_543 = arith.constant 0 : i32
      %dma_start3A_544 = arith.constant 0 : i32
      %dma_start3A_545 = tpu.memref_slice %arg10[%dma_start3A_543, %dma_start3A_544] : memref<10008x128xf32, #tpu.memory_space<vmem_shared>> -> memref<10008x128xf32, #tpu.memory_space<vmem_shared>>
      tpu.enqueue_indirect_dma source(%dma_start3A_539 : memref<120x128xf32, #tpu.memory_space<vmem>>) target(%dma_start3A_545 : memref<10008x128xf32, #tpu.memory_space<vmem_shared>>) offsets(%dma_start3A_542 : memref<120xi32, #tpu.memory_space<vmem>>) semaphore(%arg16 : memref<!tpu.dma_semaphore, #tpu.memory_space<semaphore_mem>>) {add = true}
      %add3A_546 = arith.constant 2 : i32
      %add3A_547 = arith.addi %add3A_509, %add3A_546 : i32
      %lt3A_548 = arith.constant 84 : i32
      %lt3A_549 = arith.cmpi slt, %add3A_547, %lt3A_548 : i32
      %convert_element_type3A_550 = arith.extui %lt3A_549 : i1 to i32
      %cond3A_551 = arith.constant 0 : i32
      %cond3A_552 = arith.cmpi ne, %convert_element_type3A_550, %cond3A_551 : i32
      scf.if %cond3A_552 {
        %add3A_553 = arith.constant 2 : i32
        %add3A_554 = arith.addi %add3A_509, %add3A_553 : i32
        %add3A_555 = arith.addi %mul3A_2, %add3A_554 : i32
        %dma_wait3A_556 = arith.constant 1 : i32
        %dma_wait3A_557 = arith.constant 0 : i32
        %dma_wait3A_558 = tpu.memref_slice %arg7[%dma_wait3A_556, %dma_wait3A_557] : memref<6x120xi32, #tpu.memory_space<vmem>> -> memref<1x120xi32, #tpu.memory_space<vmem>>
        %dma_wait3A_559 = tpu.memref_squeeze %dma_wait3A_558 : memref<1x120xi32, #tpu.memory_space<vmem>> -> memref<120xi32, #tpu.memory_space<vmem>>
        %dma_wait3A_560 = arith.constant 0 : i32
        %dma_wait3A_561 = tpu.memref_slice %arg3[%add3A_555, %dma_wait3A_560] : memref<2688x120xi32, #tpu.memory_space<hbm>> -> memref<1x120xi32, #tpu.memory_space<hbm>>
        %dma_wait3A_562 = tpu.memref_squeeze %dma_wait3A_561 : memref<1x120xi32, #tpu.memory_space<hbm>> -> memref<120xi32, #tpu.memory_space<hbm>>
        %dma_wait3A_563 = arith.constant 0 : i32
        %dma_wait3A_564 = tpu.memref_slice %arg7[%dma_wait3A_556, %dma_wait3A_563] : memref<6x120xi32, #tpu.memory_space<vmem>> -> memref<1x120xi32, #tpu.memory_space<vmem>>
        %dma_wait3A_565 = tpu.memref_squeeze %dma_wait3A_564 : memref<1x120xi32, #tpu.memory_space<vmem>> -> memref<120xi32, #tpu.memory_space<vmem>>
        %dma_wait3A_566 = arith.constant 0 : i32
        %dma_wait3A_567 = tpu.memref_slice %arg3[%add3A_555, %dma_wait3A_566] : memref<2688x120xi32, #tpu.memory_space<hbm>> -> memref<1x120xi32, #tpu.memory_space<hbm>>
        %dma_wait3A_568 = tpu.memref_squeeze %dma_wait3A_567 : memref<1x120xi32, #tpu.memory_space<hbm>> -> memref<120xi32, #tpu.memory_space<hbm>>
        tpu.wait_dma2 semaphore(%arg18 : memref<!tpu.dma_semaphore, #tpu.memory_space<semaphore_mem>>) src(%dma_wait3A_568 : memref<120xi32, #tpu.memory_space<hbm>>) dst(%dma_wait3A_565 : memref<120xi32, #tpu.memory_space<vmem>>)
        %add3A_569 = arith.addi %mul3A_2, %add3A_554 : i32
        %dma_wait3A_570 = arith.constant 1 : i32
        %dma_wait3A_571 = arith.constant 0 : i32
        %dma_wait3A_572 = tpu.memref_slice %arg8[%dma_wait3A_570, %dma_wait3A_571] : memref<6x120xi32, #tpu.memory_space<vmem>> -> memref<1x120xi32, #tpu.memory_space<vmem>>
        %dma_wait3A_573 = tpu.memref_squeeze %dma_wait3A_572 : memref<1x120xi32, #tpu.memory_space<vmem>> -> memref<120xi32, #tpu.memory_space<vmem>>
        %dma_wait3A_574 = arith.constant 0 : i32
        %dma_wait3A_575 = tpu.memref_slice %arg4[%add3A_569, %dma_wait3A_574] : memref<2688x120xi32, #tpu.memory_space<hbm>> -> memref<1x120xi32, #tpu.memory_space<hbm>>
        %dma_wait3A_576 = tpu.memref_squeeze %dma_wait3A_575 : memref<1x120xi32, #tpu.memory_space<hbm>> -> memref<120xi32, #tpu.memory_space<hbm>>
        %dma_wait3A_577 = arith.constant 0 : i32
        %dma_wait3A_578 = tpu.memref_slice %arg8[%dma_wait3A_570, %dma_wait3A_577] : memref<6x120xi32, #tpu.memory_space<vmem>> -> memref<1x120xi32, #tpu.memory_space<vmem>>
        %dma_wait3A_579 = tpu.memref_squeeze %dma_wait3A_578 : memref<1x120xi32, #tpu.memory_space<vmem>> -> memref<120xi32, #tpu.memory_space<vmem>>
        %dma_wait3A_580 = arith.constant 0 : i32
        %dma_wait3A_581 = tpu.memref_slice %arg4[%add3A_569, %dma_wait3A_580] : memref<2688x120xi32, #tpu.memory_space<hbm>> -> memref<1x120xi32, #tpu.memory_space<hbm>>
        %dma_wait3A_582 = tpu.memref_squeeze %dma_wait3A_581 : memref<1x120xi32, #tpu.memory_space<hbm>> -> memref<120xi32, #tpu.memory_space<hbm>>
        tpu.wait_dma2 semaphore(%arg18 : memref<!tpu.dma_semaphore, #tpu.memory_space<semaphore_mem>>) src(%dma_wait3A_582 : memref<120xi32, #tpu.memory_space<hbm>>) dst(%dma_wait3A_579 : memref<120xi32, #tpu.memory_space<vmem>>)
        %dma_start3A_583 = arith.constant 1 : i32
        %dma_start3A_584 = arith.constant 1 : i32
        %dma_start3A_585 = arith.constant 0 : i32
        %dma_start3A_586 = arith.constant 0 : i32
        %dma_start3A_587 = tpu.memref_slice %arg9[%dma_start3A_584, %dma_start3A_585, %dma_start3A_586] : memref<3x120x128xf32, #tpu.memory_space<vmem>> -> memref<1x120x128xf32, #tpu.memory_space<vmem>>
        %dma_start3A_588 = tpu.memref_squeeze %dma_start3A_587 : memref<1x120x128xf32, #tpu.memory_space<vmem>> -> memref<120x128xf32, #tpu.memory_space<vmem>>
        %dma_start3A_589 = arith.constant 0 : i32
        %dma_start3A_590 = tpu.memref_slice %arg7[%dma_start3A_583, %dma_start3A_589] : memref<6x120xi32, #tpu.memory_space<vmem>> -> memref<1x120xi32, #tpu.memory_space<vmem>>
        %dma_start3A_591 = tpu.memref_squeeze %dma_start3A_590 : memref<1x120xi32, #tpu.memory_space<vmem>> -> memref<120xi32, #tpu.memory_space<vmem>>
        %dma_start3A_592 = arith.constant 0 : i32
        %dma_start3A_593 = arith.constant 0 : i32
        %dma_start3A_594 = tpu.memref_slice %arg2[%dma_start3A_592, %dma_start3A_593] : memref<10000x128xf32, #tpu.memory_space<hbm>> -> memref<10000x128xf32, #tpu.memory_space<hbm>>
        tpu.enqueue_indirect_dma source(%dma_start3A_594 : memref<10000x128xf32, #tpu.memory_space<hbm>>) target(%dma_start3A_588 : memref<120x128xf32, #tpu.memory_space<vmem>>) offsets(%dma_start3A_591 : memref<120xi32, #tpu.memory_space<vmem>>) semaphore(%arg12 : memref<!tpu.dma_semaphore, #tpu.memory_space<semaphore_mem>>)
      } else {
      }
    }
    %scan3A_247 = arith.constant 14 : i32
    %dma_wait3A_248 = arith.constant 2 : i32
    %dma_wait3A_249 = arith.constant 5 : i32
    %dma_wait3A_250 = arith.constant 0 : i32
    %dma_wait3A_251 = arith.constant 0 : i32
    %dma_wait3A_252 = tpu.memref_slice %arg9[%dma_wait3A_248, %dma_wait3A_250, %dma_wait3A_251] : memref<3x120x128xf32, #tpu.memory_space<vmem>> -> memref<1x120x128xf32, #tpu.memory_space<vmem>>
    %dma_wait3A_253 = tpu.memref_squeeze %dma_wait3A_252 : memref<1x120x128xf32, #tpu.memory_space<vmem>> -> memref<120x128xf32, #tpu.memory_space<vmem>>
    %dma_wait3A_254 = arith.constant 0 : i32
    %dma_wait3A_255 = tpu.memref_slice %arg8[%dma_wait3A_249, %dma_wait3A_254] : memref<6x120xi32, #tpu.memory_space<vmem>> -> memref<1x120xi32, #tpu.memory_space<vmem>>
    %dma_wait3A_256 = tpu.memref_squeeze %dma_wait3A_255 : memref<1x120xi32, #tpu.memory_space<vmem>> -> memref<120xi32, #tpu.memory_space<vmem>>
    %dma_wait3A_257 = arith.constant 0 : i32
    %dma_wait3A_258 = arith.constant 0 : i32
    %dma_wait3A_259 = tpu.memref_slice %arg10[%dma_wait3A_257, %dma_wait3A_258] : memref<10008x128xf32, #tpu.memory_space<vmem_shared>> -> memref<10008x128xf32, #tpu.memory_space<vmem_shared>>
    tpu.wait_indirect_dma semaphore(%arg16 : memref<!tpu.dma_semaphore, #tpu.memory_space<semaphore_mem>>) src(%dma_wait3A_253 : memref<120x128xf32, #tpu.memory_space<vmem>>) dst(%dma_wait3A_259 : memref<10008x128xf32, #tpu.memory_space<vmem_shared>>)
    %barrier3A_260 = arith.constant 0 : index
    tpu.barrier barrier_id(%barrier3A_260)
    %lt3A_261 = arith.constant 15 : i32
    %lt3A_262 = arith.cmpi slt, %arg1, %lt3A_261 : i32
    %convert_element_type3A_263 = arith.extui %lt3A_262 : i1 to i32
    %cond3A_264 = arith.constant 0 : i32
    %cond3A_265 = arith.cmpi ne, %convert_element_type3A_263, %cond3A_264 : i32
    scf.if %cond3A_265 {
      "tpu.region"() ({
        %run_scoped3A = tpu.sem_alloc : memref<!tpu.dma_semaphore, #tpu.memory_space<semaphore_mem>>
        %dma_start3A_271 = arith.constant 0 : i32
        %dma_start3A_272 = tpu.memref_slice %arg6[%arg0, %mul3A_4, %dma_start3A_271] : memref<2x10000x128xf32, #tpu.memory_space<hbm>> -> memref<1x632x128xf32, #tpu.memory_space<hbm>>
        %dma_start3A_273 = tpu.memref_squeeze %dma_start3A_272 : memref<1x632x128xf32, #tpu.memory_space<hbm>> -> memref<632x128xf32, #tpu.memory_space<hbm>>
        %dma_start3A_274 = arith.constant 0 : i32
        %dma_start3A_275 = tpu.memref_slice %arg10[%mul3A_4, %dma_start3A_274] : memref<10008x128xf32, #tpu.memory_space<vmem_shared>> -> memref<632x128xf32, #tpu.memory_space<vmem_shared>>
        tpu.enqueue_dma source(%dma_start3A_275 : memref<632x128xf32, #tpu.memory_space<vmem_shared>>) target(%dma_start3A_273 : memref<632x128xf32, #tpu.memory_space<hbm>>) target_semaphore(%run_scoped3A : memref<!tpu.dma_semaphore, #tpu.memory_space<semaphore_mem>>)
        %dma_wait3A_276 = arith.constant 0 : i32
        %dma_wait3A_277 = tpu.memref_slice %arg6[%arg0, %mul3A_4, %dma_wait3A_276] : memref<2x10000x128xf32, #tpu.memory_space<hbm>> -> memref<1x632x128xf32, #tpu.memory_space<hbm>>
        %dma_wait3A_278 = tpu.memref_squeeze %dma_wait3A_277 : memref<1x632x128xf32, #tpu.memory_space<hbm>> -> memref<632x128xf32, #tpu.memory_space<hbm>>
        %dma_wait3A_279 = arith.constant 0 : i32
        %dma_wait3A_280 = tpu.memref_slice %arg10[%mul3A_4, %dma_wait3A_279] : memref<10008x128xf32, #tpu.memory_space<vmem_shared>> -> memref<632x128xf32, #tpu.memory_space<vmem_shared>>
        tpu.wait_dma2 semaphore(%run_scoped3A : memref<!tpu.dma_semaphore, #tpu.memory_space<semaphore_mem>>) src(%dma_wait3A_280 : memref<632x128xf32, #tpu.memory_space<vmem_shared>>) dst(%dma_wait3A_278 : memref<632x128xf32, #tpu.memory_space<hbm>>)
        tpu.yield
      }) : () -> ()
    } else {
    }
    %eq3A_266 = arith.constant 15 : i32
    %eq3A_267 = arith.cmpi eq, %arg1, %eq3A_266 : i32
    %convert_element_type3A_268 = arith.extui %eq3A_267 : i1 to i32
    %cond3A_269 = arith.constant 0 : i32
    %cond3A_270 = arith.cmpi ne, %convert_element_type3A_268, %cond3A_269 : i32
    scf.if %cond3A_270 {
      "tpu.region"() ({
        %run_scoped3A = tpu.sem_alloc : memref<!tpu.dma_semaphore, #tpu.memory_space<semaphore_mem>>
        %dma_start3A_271 = arith.constant 9480 : i32
        %dma_start3A_272 = arith.constant 0 : i32
        %dma_start3A_273 = tpu.memref_slice %arg6[%arg0, %dma_start3A_271, %dma_start3A_272] : memref<2x10000x128xf32, #tpu.memory_space<hbm>> -> memref<1x520x128xf32, #tpu.memory_space<hbm>>
        %dma_start3A_274 = tpu.memref_squeeze %dma_start3A_273 : memref<1x520x128xf32, #tpu.memory_space<hbm>> -> memref<520x128xf32, #tpu.memory_space<hbm>>
        %dma_start3A_275 = arith.constant 9480 : i32
        %dma_start3A_276 = arith.constant 0 : i32
        %dma_start3A_277 = tpu.memref_slice %arg10[%dma_start3A_275, %dma_start3A_276] : memref<10008x128xf32, #tpu.memory_space<vmem_shared>> -> memref<520x128xf32, #tpu.memory_space<vmem_shared>>
        tpu.enqueue_dma source(%dma_start3A_277 : memref<520x128xf32, #tpu.memory_space<vmem_shared>>) target(%dma_start3A_274 : memref<520x128xf32, #tpu.memory_space<hbm>>) target_semaphore(%run_scoped3A : memref<!tpu.dma_semaphore, #tpu.memory_space<semaphore_mem>>)
        %dma_wait3A_278 = arith.constant 9480 : i32
        %dma_wait3A_279 = arith.constant 0 : i32
        %dma_wait3A_280 = tpu.memref_slice %arg6[%arg0, %dma_wait3A_278, %dma_wait3A_279] : memref<2x10000x128xf32, #tpu.memory_space<hbm>> -> memref<1x520x128xf32, #tpu.memory_space<hbm>>
        %dma_wait3A_281 = tpu.memref_squeeze %dma_wait3A_280 : memref<1x520x128xf32, #tpu.memory_space<hbm>> -> memref<520x128xf32, #tpu.memory_space<hbm>>
        %dma_wait3A_282 = arith.constant 9480 : i32
        %dma_wait3A_283 = arith.constant 0 : i32
        %dma_wait3A_284 = tpu.memref_slice %arg10[%dma_wait3A_282, %dma_wait3A_283] : memref<10008x128xf32, #tpu.memory_space<vmem_shared>> -> memref<520x128xf32, #tpu.memory_space<vmem_shared>>
        tpu.wait_dma2 semaphore(%run_scoped3A : memref<!tpu.dma_semaphore, #tpu.memory_space<semaphore_mem>>) src(%dma_wait3A_284 : memref<520x128xf32, #tpu.memory_space<vmem_shared>>) dst(%dma_wait3A_281 : memref<520x128xf32, #tpu.memory_space<hbm>>)
        tpu.yield
      }) : () -> ()
    } else {
    }
    return
  }
}

module attributes {stable_mosaic.version = 14 : i64} {
  func.func @body(%arg0: i32, %arg1: memref<1000x128xf32, #tpu.memory_space<vmem>>, %arg2: memref<128x128xf32, #tpu.memory_space<vmem>>, %arg3: memref<1000x1xf32, #tpu.memory_space<vmem>>, %arg4: memref<1000x128xf32, #tpu.memory_space<vmem>>) attributes {dimension_semantics = [#tpu.dimension_semantics<arbitrary>], iteration_bounds = array<i64: 10>, scalar_prefetch = 0 : i64, scratch_operands = 0 : i64, tpu.core_type = #tpu.core_type<tc>, window_params = [{transform_indices = @transform_0, window_bounds = array<i64: 1000, 128>}, {pipeline_mode = #tpu.pipeline_mode<synchronous>, transform_indices = @transform_1, window_bounds = array<i64: 128, 128>}, {transform_indices = @transform_2, window_bounds = array<i64: 1000, 1>}, {transform_indices = @transform_3, window_bounds = array<i64: 1000, 128>}]} {
    %get3A = arith.constant 0 : index
    %get3A_0 = arith.constant 0 : index
    %get3A_1 = vector.load %arg1[%get3A, %get3A_0] : memref<1000x128xf32, #tpu.memory_space<vmem>>, vector<1000x128xf32>
    %get3A_2 = arith.constant 0 : index
    %get3A_3 = arith.constant 0 : index
    %get3A_4 = vector.load %arg2[%get3A_2, %get3A_3] : memref<128x128xf32, #tpu.memory_space<vmem>>, vector<128x128xf32>
    %dot_general3A = arith.constant dense<0.000000e+00> : vector<1000x128xf32>
    %dot_general3A_5 = tpu.matmul %get3A_1, %get3A_4, %dot_general3A {dimension_numbers = #tpu.dot_dimension_numbers<[1], [0], [0], [1], [0, 0, 1, 1], [], []>, transpose_lhs_hint = false} : vector<1000x128xf32>, vector<128x128xf32>, vector<1000x128xf32> -> vector<1000x128xf32>
    %get3A_6 = arith.constant 0 : index
    %get3A_7 = arith.constant 0 : index
    %get3A_8 = vector.load %arg3[%get3A_6, %get3A_7] : memref<1000x1xf32, #tpu.memory_space<vmem>>, vector<1000x1xf32>
    %mul3A = vector.broadcast %get3A_8 : vector<1000x1xf32> to vector<1000x128xf32>
    %mul3A_9 = arith.mulf %dot_general3A_5, %mul3A : vector<1000x128xf32>
    %swap3A = arith.constant 0 : index
    %swap3A_10 = arith.constant 0 : index
    %swap3A_11 = vector.load %arg4[%swap3A, %swap3A_10] : memref<1000x128xf32, #tpu.memory_space<vmem>>, vector<1000x128xf32>
    tpu.vector_store %arg4[%swap3A, %swap3A_10], %mul3A_9 {strides = array<i32>} : memref<1000x128xf32, #tpu.memory_space<vmem>>, vector<1000x128xf32>,
    return
  }
  func.func @transform_0(%arg0: i32) -> (i32, i32) {
    %c0_i32 = arith.constant 0 : i32
    %c0_i32_0 = arith.constant 0 : i32
    return %arg0, %c0_i32 : i32, i32
  }
  func.func @transform_1(%arg0: i32) -> (i32, i32) {
    %c0_i32 = arith.constant 0 : i32
    %c0_i32_0 = arith.constant 0 : i32
    %c0_i32_1 = arith.constant 0 : i32
    return %c0_i32, %c0_i32_0 : i32, i32
  }
  func.func @transform_2(%arg0: i32) -> (i32, i32) {
    %c0_i32 = arith.constant 0 : i32
    %c0_i32_0 = arith.constant 0 : i32
    return %arg0, %c0_i32 : i32, i32
  }
  func.func @transform_3(%arg0: i32) -> (i32, i32) {
    %c0_i32 = arith.constant 0 : i32
    %c0_i32_0 = arith.constant 0 : i32
    return %arg0, %c0_i32 : i32, i32
  }
}

module attributes {stable_mosaic.version = 14 : i64} {
  func.func @body(%arg0: i32, %arg1: memref<2x1000x128xf32, #tpu.memory_space<vmem>>, %arg2: memref<1000x1xf32, #tpu.memory_space<vmem>>, %arg3: memref<1x128xf32, #tpu.memory_space<vmem>>, %arg4: memref<1000x128xf32, #tpu.memory_space<vmem>>) attributes {dimension_semantics = [#tpu.dimension_semantics<arbitrary>], iteration_bounds = array<i64: 10>, scalar_prefetch = 0 : i64, scratch_operands = 0 : i64, tpu.core_type = #tpu.core_type<tc>, window_params = [{transform_indices = @transform_0, window_bounds = array<i64: 2, 1000, 128>}, {transform_indices = @transform_1, window_bounds = array<i64: 1000, 1>}, {pipeline_mode = #tpu.pipeline_mode<synchronous>, transform_indices = @transform_2, window_bounds = array<i64: 1, 128>}, {transform_indices = @transform_3, window_bounds = array<i64: 1000, 128>}]} {
    %get3A = arith.constant 0 : index
    %get3A_0 = arith.constant 0 : index
    %get3A_1 = arith.constant 0 : index
    %get3A_2 = vector.load %arg1[%get3A, %get3A_0, %get3A_1] : memref<2x1000x128xf32, #tpu.memory_space<vmem>>, vector<1x1000x128xf32>
    %get3A_3 = vector.shape_cast %get3A_2 : vector<1x1000x128xf32> to vector<1000x128xf32>
    %get3A_4 = arith.constant 1 : index
    %get3A_5 = arith.constant 0 : index
    %get3A_6 = arith.constant 0 : index
    %get3A_7 = vector.load %arg1[%get3A_4, %get3A_5, %get3A_6] : memref<2x1000x128xf32, #tpu.memory_space<vmem>>, vector<1x1000x128xf32>
    %get3A_8 = vector.shape_cast %get3A_7 : vector<1x1000x128xf32> to vector<1000x128xf32>
    %add3A = arith.addf %get3A_3, %get3A_8 : vector<1000x128xf32>
    %get3A_9 = arith.constant 0 : index
    %get3A_10 = arith.constant 0 : index
    %get3A_11 = vector.load %arg2[%get3A_9, %get3A_10] : memref<1000x1xf32, #tpu.memory_space<vmem>>, vector<1000x1xf32>
    %mul3A = vector.broadcast %get3A_11 : vector<1000x1xf32> to vector<1000x128xf32>
    %mul3A_12 = arith.mulf %add3A, %mul3A : vector<1000x128xf32>
    %get3A_13 = arith.constant 0 : index
    %get3A_14 = arith.constant 0 : index
    %get3A_15 = vector.load %arg3[%get3A_13, %get3A_14] : memref<1x128xf32, #tpu.memory_space<vmem>>, vector<1x128xf32>
    %add3A_16 = vector.broadcast %get3A_15 : vector<1x128xf32> to vector<1000x128xf32>
    %add3A_17 = arith.addf %mul3A_12, %add3A_16 : vector<1000x128xf32>
    %swap3A = arith.constant 0 : index
    %swap3A_18 = arith.constant 0 : index
    %swap3A_19 = vector.load %arg4[%swap3A, %swap3A_18] : memref<1000x128xf32, #tpu.memory_space<vmem>>, vector<1000x128xf32>
    tpu.vector_store %arg4[%swap3A, %swap3A_18], %add3A_17 {strides = array<i32>} : memref<1000x128xf32, #tpu.memory_space<vmem>>, vector<1000x128xf32>,
    return
  }
  func.func @transform_0(%arg0: i32) -> (i32, i32, i32) {
    %c0_i32 = arith.constant 0 : i32
    %c0_i32_0 = arith.constant 0 : i32
    %c0_i32_1 = arith.constant 0 : i32
    return %c0_i32, %arg0, %c0_i32_0 : i32, i32, i32
  }
  func.func @transform_1(%arg0: i32) -> (i32, i32) {
    %c0_i32 = arith.constant 0 : i32
    %c0_i32_0 = arith.constant 0 : i32
    return %arg0, %c0_i32 : i32, i32
  }
  func.func @transform_2(%arg0: i32) -> (i32, i32) {
    %c0_i32 = arith.constant 0 : i32
    %c0_i32_0 = arith.constant 0 : i32
    %c0_i32_1 = arith.constant 0 : i32
    return %c0_i32, %c0_i32_0 : i32, i32
  }
  func.func @transform_3(%arg0: i32) -> (i32, i32) {
    %c0_i32 = arith.constant 0 : i32
    %c0_i32_0 = arith.constant 0 : i32
    return %arg0, %c0_i32 : i32, i32
  }
}

</mosaic_0001>

<sc_bundles>
// kernel: kernel.5.cloned.1.call-start
scs
__scs_entry_jumppad:
0x0: {  	(pc) =	sbr.rel $0x88, $3  }
0x1: {  	(tag) =	ssettag $0x0;
	lr =	simm.s32 $0x1  }
0x2: {  	[smem:$0x3F9C] =	sst lr;
	_ =	strace $0xD0000000  }
0x3: {  	_ = 	snop  }
0x4: {  	_ = 	snop  }
0x5: {  	_ = 	snop  }
0x6: {  	_ = 	snop  }
0x7: {  	_ = 	snop  }
__scs_overlays_trampoline_lowered:
0x8: {  	[smem:$0x3FAB] =	sst s0  }
0x9: {  	[smem:$0x3FAC] =	sst s1  }
0xa: {  	[smem:$0x3FAD] =	sst s2  }
0xb: {  	[smem:$0x3FAE] =	sst s3  }
0xc: {  	[smem:$0x3FAF] =	sst s4  }
0xd: {  	[smem:$0x3FB0] =	sst s5  }
0xe: {  	[smem:$0x3FB1] =	sst s6  }
0xf: {  	[smem:$0x3FB2] =	sst s7  }
0x10: {  	[smem:$0x3FB3] =	sst s8  }
0x11: {  	[smem:$0x3FB4] =	sst s9;
	s0 =	simm.s32 @!p0 $0x0  }
0x12: {  	s1 =	sld [smem:$0x3F9A];
	s0 =	simm.s32 @p0 $0x1  }
0x13: {  	[smem:$0x3FB5] =	sst s0;
	s0 =	simm.s32 @!p1 $0x0  }
0x14: {  	s2 =	sld [smem:$0x3F99];
	s0 =	simm.s32 @p1 $0x1  }
0x15: {  	[smem:$0x3FB6] =	sst s0;
	s0 =	simm.s32 @!p2 $0x0  }
0x16: {  	s3 =	sld [smem:$0x3FDB];
	s0 =	simm.s32 @p2 $0x1  }
0x17: {  	s4 =	simm.s32 $0x1BF5;
	[smem:$0x3FB8] =	sst s0  }
0x18: {  	s0 =	sld [smem:$0x3F9B];
	_ =	swait.ge [sflag:s4], $0x0  }
0x19: {  	s7 =	sld [smem:$0x3F9C]  }
0x1a: {  	s8 =	sadd.s32 $0xFFFFE003, lr  }
0x1b: {  	s9 =	sadd.s32 $0xFFFFFEF7, lr;
	s5 =	simm.s32 $0xFFFFFFFF;
	p2 =	slt.u32 s8, $0xFFFFF086  }
0x1c: {  	p1 =	slt.u32 s9, $0xF7A;
	s5 =	simm.s32 @!p2 $0x0  }
0x1d: {  	s5 =	simm.s32 @p1 $0x1;
	p0 =	seq.s32 s7, s2  }
0x1e: {  	s7 =	smul.u32 @!p0 $0xF7A, s2;
	p2 =	seq.s32 @!p0 s5, $0x0  }
0x1f: {  	s9 =	smul.u32 $0xF7A, s1;
	s8 =	simm.s32 @!p0 $0x1BF5;
	p2 =	por !p2, p0  }
0x20: {  	[sflag:s8] =	ssyncset.s32 @!p0 $0xFFFFF086;
	s6 =	sadd.s32 @!p0 s3, s7;
	s7 =	simm.s32 @!p0 $0x108  }
0x21: {  	s3 =	sadd.s32 s3, s9;
	s6 =	sadd.s32 @!p0 $0x88, s6;
	s7 =	simm.s32 @p2 $0x1082  }
0x22: {  	[simem:s7], [sflag:s8] =	dma.local @!p0 [hbm:s6], $0xF7A  }
0x23: {  	s9 =	sor.u32 $0xD0000000, s2;
	s6 =	simm.s32 $0x108;
	_ =	swait.ge @!p0 [sflag:s8], $0x0  }
0x24: {  	s3 =	sadd.s32 $0x88, s3;
	s6 =	simm.s32 @!p1 $0x1082;
	[sflag:s4] =	ssyncset.s32 $0xFFFFF086  }
0x25: {  	[simem:s6], [sflag:s4] =	dma.local [hbm:s3], $0xF7A  }
0x26: {  	[smem:$0x3F9C] =	sst s1;
	(tag) =	ssettag s2;
	_ =	strace s9  }
0x27: {  	s1 =	sld [smem:$0x3FAC]  }
0x28: {  	s2 =	sld [smem:$0x3FAD]  }
0x29: {  	s4 =	sld [smem:$0x3FAF]  }
0x2a: {  	p0 =	seq.s32 s5, $0x0;
	s5 =	sld [smem:$0x3FB0]  }
0x2b: {  	s6 =	sld [smem:$0x3FB1]  }
0x2c: {  	s7 =	sld [smem:$0x3FB2]  }
0x2d: {  	s3 =	simm.s32 $0x108;
	s8 =	sld [smem:$0x3FB3]  }
0x2e: {  	s3 =	simm.s32 @!p0 $0x1082;
	s9 =	sld [smem:$0x3FB4]  }
0x2f: {  	lr =	sadd.s32 s0, s3;
	s0 =	sld [smem:$0x3FAB]  }
0x30: {  	s3 =	sld [smem:$0x3FAE]  }
0x31: {  	[smem:$0x3FB7] =	sst s10  }
0x32: {  	s10 =	sld [smem:$0x3FB5];
	_ =	sdelay $0x3  }
0x33: {  	p0 =	seq.s32 s10, $0x1;
	s10 =	sld [smem:$0x3FB7];
	_ =	sdelay $0x3  }
0x34: {  	[smem:$0x3FB7] =	sst s10  }
0x35: {  	s10 =	sld [smem:$0x3FB6];
	_ =	sdelay $0x3  }
0x36: {  	p1 =	seq.s32 s10, $0x1;
	s10 =	sld [smem:$0x3FB7];
	_ =	sdelay $0x3  }
0x37: {  	[smem:$0x3FB7] =	sst s10  }
0x38: {  	s10 =	sld [smem:$0x3FB8]  }
0x39: {  	_ = 	snop;
	(pc) =	sbr.ind lr, $3  }
0x3a: {  	_ = 	snop  }
0x3b: {  	_ = 	snop  }
0x3c: {  	p2 =	seq.s32 s10, $0x1;
	s10 =	sld [smem:$0x3FB7]  }
0x3d: {  	_ =	shalt  }
0x3e: {  	_ =	shalt  }
0x3f: {  	_ =	shalt  }
0x40: {  	_ =	shalt  }
0x41: {  	_ =	shalt  }
0x42: {  	_ =	shalt  }
0x43: {  	_ =	shalt  }
0x44: {  	_ =	shalt  }
0x45: {  	_ =	shalt  }
0x46: {  	_ =	shalt  }
0x47: {  	_ =	shalt  }
0x48: {  	_ =	shalt  }
0x49: {  	_ =	shalt  }
0x4a: {  	_ =	shalt  }
0x4b: {  	_ =	shalt  }
0x4c: {  	_ =	shalt  }
0x4d: {  	_ =	shalt  }
0x4e: {  	_ =	shalt  }
0x4f: {  	_ =	shalt  }
0x50: {  	_ =	shalt  }
0x51: {  	_ =	shalt  }
0x52: {  	_ =	shalt  }
0x53: {  	_ =	shalt  }
0x54: {  	_ =	shalt  }
0x55: {  	_ =	shalt  }
0x56: {  	_ =	shalt  }
0x57: {  	_ =	shalt  }
0x58: {  	_ =	shalt  }
0x59: {  	_ =	shalt  }
0x5a: {  	_ =	shalt  }
0x5b: {  	_ =	shalt  }
0x5c: {  	_ =	shalt  }
0x5d: {  	_ =	shalt  }
0x5e: {  	_ =	shalt  }
0x5f: {  	_ =	shalt  }
0x60: {  	_ =	shalt  }
0x61: {  	_ =	shalt  }
0x62: {  	_ =	shalt  }
0x63: {  	_ =	shalt  }
0x64: {  	_ =	shalt  }
0x65: {  	_ =	shalt  }
0x66: {  	_ =	shalt  }
0x67: {  	_ =	shalt  }
0x68: {  	_ =	shalt  }
0x69: {  	_ =	shalt  }
0x6a: {  	_ =	shalt  }
0x6b: {  	_ =	shalt  }
0x6c: {  	_ =	shalt  }
0x6d: {  	_ =	shalt  }
0x6e: {  	_ =	shalt  }
0x6f: {  	_ =	shalt  }
0x70: {  	_ =	shalt  }
0x71: {  	_ =	shalt  }
0x72: {  	_ =	shalt  }
0x73: {  	_ =	shalt  }
0x74: {  	_ =	shalt  }
0x75: {  	_ =	shalt  }
0x76: {  	_ =	shalt  }
0x77: {  	_ =	shalt  }
0x78: {  	_ =	shalt  }
0x79: {  	_ =	shalt  }
0x7a: {  	_ =	shalt  }
0x7b: {  	_ =	shalt  }
0x7c: {  	_ =	shalt  }
0x7d: {  	_ =	shalt  }
0x7e: {  	_ =	shalt  }
0x7f: {  	_ =	shalt  }
0x80: {  	_ =	shalt  }
0x81: {  	_ =	shalt  }
0x82: {  	_ =	shalt  }
0x83: {  	_ =	shalt  }
0x84: {  	_ =	shalt  }
0x85: {  	_ =	shalt  }
0x86: {  	_ =	shalt  }
0x87: {  	_ =	shalt  }
.Lfunc_end0:
.L_simem_size_0:
called_computation_lowered:
.L_overlay_start_0:
0x88: {  	s2 =	sld [smem:$0x3FD9]  }
0x89: {  	s3 =	sld [smem:$0x3FFE];
	_ =	sdelay $0x1  }
0x8a: {  	s1 =	srdreg.scid  }
0x8b: {  	s0 =	sand.u32 $0x1, s1  }
0x8c: {  	s17 =	sshll.u32 s0, $0xA;
	s2 =	sadd.s32 s3, s2  }
0x8d: {  	s2 =	sadd.s32 s2, s17  }
0x8e: {  	[smem:$0x3FC3] =	sst s2  }
0x8f: {  	_ = 	snop  }
0x90: {  	s2 =	sld [smem:$0x3FD0];
	(tm) =	ssettm $0x1  }
0x91: {  	s18 =	sld [smem:$0x3FFB];
	_ =	sdelay $0x3  }
0x92: {  	_ =	strace s18  }
0x93: {  	s3 =	sld [smem:$0x3FFC];
	_ =	sdelay $0x3  }
0x94: {  	_ =	strace s3  }
0x95: {  	s3 =	sld [smem:$0x3FFD];
	_ =	sdelay $0x3  }
0x96: {  	_ =	strace s3  }
0x97: {  	_ =	strace $0x8FFFFFFF  }
0x98: {  	s19 =	sld [smem:$0x3FDB];
	_ =	sdelay $0x1  }
0x99: {  	s4 =	simm.s32 $_scs_section_size  }
0x9a: {  	s5 =	simm.s32 $_size__tile_overlayer_lowered;
	s6 =	simm.s32 $_tile_overlayer_lowered  }
0x9b: {  	s22 =	simm.s32 $0x1BFF;
	s21 =	sshll.u32 s6, $0x1;
	s3 =	sadd.s32 s4, s19  }
0x9c: {  	s7 =	simm.s32 $0x0;
	s20 =	sshll.u32 s5, $0x1;
	s5 =	sadd.s32 s21, s3  }
0x9d: {  	[timem:s7], [sflag:s22] =	dma.local [hbm:s5], s20  }
0x9e: {  	_ =	swait.ge [sflag:s22], s20  }
0x9f: {  	s4 =	ssub.s32 $0x0, s20;
	[sflag:s22] =	ssyncset.done $0x0  }
0xa0: {  	[sflag:s22] =	ssyncadd.s32 s4;
	_ =	sdelay $0x1  }
0xa1: {  	s23 =	simm.s32 $0x1B8B  }
0xa2: {  	_ =	swait.ge [sflag:s23], $0x1  }
0xa3: {  	[sflag:s23] =	ssyncset.done $0x0  }
0xa4: {  	s25 =	simm.s32 $0x1B8E;
	s24 =	sld [smem:$0x3FFE];
	[sflag:s23] =	ssyncadd.s32 $0xFFFFFFFF  }
0xa5: {  	s26 =	simm.s32 $execute0_lowered;
	[smem:$0x3FD2] =	sst s25  }
0xa6: {  	s5 =	sshll.u32 s26, $0x1;
	_ =	strace $0x80000046;
	[dreg:$0x1] =	wrdreg $0xFFFFFFFF  }
0xa7: {  	s28 =	simm.s32 $_size_execute0_lowered;
	s3 =	sadd.s32 s3, s5;
	[dreg:$0x0] =	wrdreg $0x0  }
0xa8: {  	s5 =	sshll.u32 s28, $0x1;
	[dreg:$0x2] =	wrdreg s3  }
0xa9: {  	[dreg:$0x3] =	wrdreg s5  }
0xaa: {  	[dreg:$0x4] =	wrdreg $0xC0  }
0xab: {  	_ =	task [dreg:s7], $0x5FFFF  }
0xac: {  	[dreg:$0x1] =	wrdreg $0xFFFFFFFF  }
0xad: {  	[dreg:$0x0] =	wrdreg $0x60  }
0xae: {  	[dreg:$0x2] =	wrdreg s2  }
0xaf: {  	[dreg:$0x3] =	wrdreg s24  }
0xb0: {  	[dreg:$0x4] =	wrdreg $0xBC000  }
0xb1: {  	[dreg:$0x5] =	wrdreg $0x9  }
0xb2: {  	_ =	task.clear_ibuf [dreg:s7], $0x6FFFF;
	_ =	strace $0x90000046  }
0xb3: {  	s29 =	simm.s32 $0x9;
	_ =	strace $0x80000048  }
0xb4: {  	_ =	swait.ge [sflag:s29], $0x1  }
0xb5: {  	[sflag:s29] =	ssyncadd.s32 $0xFFFFFFFF  }
0xb6: {  	_ =	strace $0x90000048  }
0xb7: {  	_ =	sfence  }
0xb8: {  	s30 =	sld [smem:$0x0];
	_ =	sdelay $0x2  }
0xb9: {  	s31 =	sshll.u32 s1, $0xD;
	s1 =	sshrl.u32 s1, $0x2  }
0xba: {  	s3 =	sand.u32 $0x4000, s31;
	s1 =	sadd.s32 s1, s30  }
0xbb: {  	s0 =	sor.u32 s3, s0;
	s1 =	sshll.u32 s1, $0x11  }
0xbc: {  	s0 =	sor.u32 s1, s0  }
0xbd: {  	s0 =	sadd.s32 $0x8F2B, s0  }
0xbe: {  	[sflag:s0] =	ssyncadd.remote.s32 $0x1  }
0xbf: {  	_ =	sfence.sel $0xFFFF  }
0xc0: {  	[dreg:$0x0] =	wrdreg $0xFFFFFFFF;
	(pc) =	sbr.abs _section_cstart, $3  }
0xc1: {  	[dreg:$0x1] =	wrdreg $0xFFFFFFFF  }
0xc2: {  	_ =	task.clear_ibuf [dreg:s7], $0x2FFFF;
	_ =	strace $0x9FFFFFFF  }
0xc3: {  	(tm) =	ssettm $0x7FFFFFFF  }
tec
execute0_lowered:
.L_overlay_start_1:
0x0: {  	(tag) =	ssettag $0x1  }
0x1: {  	s0 =	srdreg.scid  }
0x2: {  	s13 =	stileid.u32;
	s4 =	rddreg [dreg:$0x1];
	s26 =	simm.s32 $0x0  }
0x3: {  	s28 =	simm.s32 $0x1;
	s29 =	simm.s32 $0x9;
	s30 =	simm.s32 $0x8000  }
0x4: {  	s0 =	sand.u32 $0x1, s0;
	s5 =	sshll.u32 s13, $0x9;
	[smem:$0x7FF] =	sst s26  }
0x5: {  	s7 =	sadd.s32 $0xB600, s4;
	s10 =	sadd.s32 $0x3D000, s4;
	s17 =	smul.u32 $0x54, s13  }
0x6: {  	s19 =	smul.u32 $0x13C00, s13;
	p0 =	seq.s32 s13, $0xF;
	s1 =	sshll.u32 s0, $0x4  }
0x7: {  	s5 =	sand.u32 $0x200, s5;
	s8 =	ssub.s32 $0x2, s0;
	s16 =	smul.u32 $0x138800, s0  }
0x8: {  	s0 =	smul.u32 $0x540, s0;
	s2 =	sor.u32 s13, s1;
	s9 =	sshrl.u32 s8, $0x1  }
0x9: {  	s1 =	rddreg [dreg:$0x0];
	s3 =	smul.u32 $0x2A00, s2;
	s8 =	ssub.s32 s8, s9  }
0xa: {  	s0 =	sadd.s32 s17, s0;
	s21 =	sadd.s32 s19, s16;
	s22 =	sshrl.u32 s16, $0x3  }
0xb: {  	s0 =	sshll.u32 s0, $0x4;
	s6 =	sand.u32 $0x7FC00, s3;
	s3 =	sshrl.u32 s3, $0x3  }
0xc: {  	s23 =	sadd.s32 $0xA0, s0;
	s26 =	sadd.s32 $0x80, s0;
	s5 =	sor.u32 s5, s6  }
0xd: {  	s6 =	sadd.s32 $0xE00, s4;
	s3 =	sadd.s32 $0x40, s3;
	s25 =	sadd.s32 s23, s7  }
0xe: {  	s5 =	sshrl.u32 s5, $0x3;
	s20 =	sadd.s32 s7, s3;
	[dreg:$0x10] =	wrdreg s25  }
0xf: {  	s3 =	sadd.s32 s6, s3;
	s24 =	sadd.s32 s23, s6;
	[dreg:$0xc] =	wrdreg s20  }
0x10: {  	s25 =	smax.u32 s8, $0x1;
	s8 =	simm.s32 $0xC;
	[dreg:$0xd] =	wrdreg s3  }
0x11: {  	s2 =	sor.u32 $0x10, s5;
	s11 =	sadd.s32 s7, s5;
	[dreg:$0xf] =	wrdreg s24  }
0x12: {  	s12 =	sadd.s32 s6, s5;
	s15 =	sor.u32 $0x20, s5;
	[dreg:$0x4] =	wrdreg s11  }
0x13: {  	s5 =	sor.u32 $0x30, s5;
	[dreg:$0x5] =	wrdreg s12;
	s14 =	sadd.s32 s7, s2  }
0x14: {  	s3 =	sshrl.u32 s21, $0x3;
	s9 =	sadd.s32 s6, s2;
	[dreg:$0x6] =	wrdreg s14  }
0x15: {  	s21 =	sadd.s32 $0x3AE80, s4;
	s12 =	sadd.s32 s7, s15;
	[dreg:$0x7] =	wrdreg s9  }
0x16: {  	s18 =	sadd.s32 s7, s5;
	s5 =	sadd.s32 s6, s5;
	[dreg:$0x8] =	wrdreg s12  }
0x17: {  	s3 =	sadd.s32 s10, s3;
	s2 =	sadd.s32 $0x40, s0;
	[dreg:$0xa] =	wrdreg s18  }
0x18: {  	s11 =	sadd.s32 s26, s7;
	s0 =	sadd.s32 $0x60, s0;
	[dreg:$0xb] =	wrdreg s5  }
0x19: {  	s9 =	sadd.s32 s6, s15;
	[dreg:$0xe] =	wrdreg s3;
	s3 =	sadd.s32 s10, s22  }
0x1a: {  	s10 =	sadd.s32 s26, s6;
	s18 =	sadd.s32 s2, s6;
	s19 =	sadd.s32 s2, s7  }
0x1b: {  	s12 =	smul.u32 $0x4F000, s13;
	s14 =	sadd.s32 s0, s6;
	s22 =	rddreg [dreg:$0x2]  }
0x1c: {  	s15 =	smul.u32 $0x2780, s13;
	s23 =	sadd.s32 s0, s7;
	s13 =	simm.s32 $0x8  }
0x1d: {  	s5 =	simm.s32 $0x3;
	s6 =	simm.s32 $0xB;
	[dreg:$0x9] =	wrdreg s9  }
0x1e: {  	s7 =	simm.s32 $0x6;
	[dreg:$0x11] =	wrdreg s14;
	s24 =	sadd.s32 $0x25080, s3  }
0x1f: {  	s26 =	sadd.s32 $0x128400, s22;
	_ =	strace $0x80000047;
	[dreg:$0x14] =	wrdreg s21  }
0x20: {  	s2 =	smov.u32 s10;
	s31 =	sadd.s32 $0x10, s10;
	[dreg:$0x15] =	wrdreg s24  }
0x21: {  	s10 =	simm.s32 $0x4;
	s3 =	simm.s32 $0xA;
	[dreg:$0x16] =	wrdreg s25  }
0x22: {  	s16 =	sshrl.u32 s12, $0x2;
	s17 =	sadd.s32 s15, s4;
	[dreg:$0x17] =	wrdreg s26  }
.Ltmp0:
0x23: {  	s21 =	smov.u32 s11;
	s12 =	simm.s32 $0x800;
	(pc) =	sbr.rel .LBB2_1-.Ltmp0, $4  }
0x24: {  	s24 =	simm.s32 $0x4400;
	s25 =	simm.s32 $0x280;
	s0 =	sadd.s32 s16, s22  }
0x25: {  	s26 =	simm.s32 $0x680;
	s20 =	sadd.s32 $0x15E00, s17;
	[dreg:$0x12] =	wrdreg s0  }
0x26: {  	s4 =	simm.s32 $0x5;
	s15 =	simm.s32 $0x0;
	[dreg:$0x13] =	wrdreg s20  }
0x27: {  	s20 =	sadd.s32 $0x10, s11;
	s11 =	simm.s32 $0x78;
	s0 =	simm.s32 $0x2  }
.LBB2_4:
0x28: {  	_ =	swait.ge [sflag:s7], $0x3C00  }
0x29: {  	[sflag:s7] =	ssyncset.done $0x0  }
0x2a: {  	[sflag:s7] =	ssyncadd.s32 $0xFFFFC400  }
0x2b: {  	[bflag:$0x0] =	sbarrier.arrive $0xFFFF  }
0x2c: {  	s14 =	rddreg [dreg:$0x15]  }
0x2d: {  	s9 =	simm.s32 @p0 $0x1FCD;
	s15 =	rddreg [dreg:$0x19]  }
0x2e: {  	[hbm:s14], [sflag:s9] =	dma.local @p0 [spmem:s15], $0x2080  }
0x2f: {  	s9 =	simm.s32 @p0 $0xD  }
0x30: {  	_ =	swait.ge @p0 [sflag:s9], $0x2080  }
0x31: {  	s14 =	rddreg [dreg:$0x1a]  }
0x32: {  	[sflag:s9] =	ssyncset.done @p0 $0x0;
	s15 =	rddreg [dreg:$0x1b]  }
0x33: {  	[sflag:s9] =	ssyncadd.s32 @p0 $0xFFFFDF80;
	s9 =	rddreg [dreg:$0xe]  }
0x34: {  	[hbm:s9], [sflag:s14] =	dma.local @!p0 [spmem:s15], $0x2780  }
0x35: {  	s9 =	simm.s32 @!p0 $0xD  }
0x36: {  	_ =	swait.ge @!p0 [sflag:s9], $0x2780  }
0x37: {  	s16 =	rddreg [dreg:$0x18]  }
0x38: {  	s17 =	rddreg [dreg:$0x16];
	s15 =	sadd.s32 $0x1, s16  }
0x39: {  	p1 =	sne.s32 s15, s17  }
.Ltmp1:
0x3a: {  	_ = 	snop;
	(pc) =	sbr.rel @!p1 .LBB2_5-.Ltmp1, $3  }
0x3b: {  	_ =	sdelay $0x1  }
0x3c: {  	[sflag:s9] =	ssyncset.done @!p0 $0x0  }
0x3d: {  	[sflag:s9] =	ssyncadd.s32 @!p0 $0xFFFFD880  }
.LBB2_1:
0x3e: {  	[dreg:$0x18] =	wrdreg s15  }
0x3f: {  	s9 =	rddreg [dreg:$0x17]  }
0x40: {  	s14 =	rddreg [dreg:$0x14];
	s15 =	sshrl.u32 @p0 s9, $0x3  }
0x41: {  	s9 =	simm.s32 @p0 $0x1FCD;
	[dreg:$0x19] =	wrdreg s15  }
0x42: {  	[spmem:s15], [sflag:s9] =	dma.local @p0 [hbm:s14], $0x2080  }
0x43: {  	s9 =	simm.s32 @p0 $0xD  }
0x44: {  	s14 =	stileid.u32;
	_ =	swait.ge @p0 [sflag:s9], $0x2080  }
0x45: {  	s14 =	sshll.u32 @!p0 s14, $0x6;
	[sflag:s9] =	ssyncset.done @p0 $0x0  }
0x46: {  	s14 =	sor.u32 @!p0 $0x1C0D, s14;
	[sflag:s9] =	ssyncadd.s32 @p0 $0xFFFFDF80;
	s9 =	rddreg [dreg:$0x12]  }
0x47: {  	[dreg:$0x1a] =	wrdreg s14  }
0x48: {  	s15 =	sshrl.u32 @!p0 s9, $0x3;
	s9 =	rddreg [dreg:$0x13]  }
0x49: {  	[dreg:$0x1b] =	wrdreg s15  }
0x4a: {  	[spmem:s15], [sflag:s14] =	dma.local @!p0 [hbm:s9], $0x2780  }
0x4b: {  	s9 =	simm.s32 @!p0 $0xD  }
0x4c: {  	_ =	swait.ge @!p0 [sflag:s9], $0x2780  }
0x4d: {  	[sflag:s9] =	ssyncset.done @!p0 $0x0  }
0x4e: {  	[sflag:s9] =	ssyncadd.s32 @!p0 $0xFFFFD880  }
0x4f: {  	[bflag:$0x0] =	sbarrier.arrive $0xFFFF  }
0x50: {  	s14 =	simm.s32 $0x0;
	s15 =	rddreg [dreg:$0x4]  }
0x51: {  	[tilespmem:s14], [sflag:$0x7] =	stream.linear.gather [hbm4b:s15+s14], $0x80, $0x38;
	[tilespmem:$0x1F4C0] =	vst v63  }
0x52: {  	s17 =	simm.s32 $0x400;
	s16 =	rddreg [dreg:$0x5]  }
0x53: {  	[tilespmem:s17], [sflag:$0x7] =	stream.linear.gather [hbm4b:s16+s14], $0x80, $0x38;
	[tilespmem:$0x1F4C0] =	vst v63  }
0x54: {  	s15 =	simm.s32 $0x80;
	s16 =	rddreg [dreg:$0x6]  }
0x55: {  	[tilespmem:s15], [sflag:$0x8] =	stream.linear.gather [hbm4b:s16+s14], $0x80, $0x38;
	[tilespmem:$0x1F4C0] =	vst v63  }
0x56: {  	s17 =	rddreg [dreg:$0x7];
	s16 =	simm.s32 $0x480  }
0x57: {  	[tilespmem:s16], [sflag:$0x8] =	stream.linear.gather [hbm4b:s17+s14], $0x80, $0x38;
	[tilespmem:$0x1F4C0] =	vst v63  }
0x58: {  	s16 =	rddreg [dreg:$0x8];
	s17 =	simm.s32 $0x100  }
0x59: {  	[tilespmem:s17], [sflag:$0x9] =	stream.linear.gather [hbm4b:s16+s14], $0x80, $0x38;
	[tilespmem:$0x1F4C0] =	vst v63  }
0x5a: {  	s16 =	rddreg [dreg:$0x9];
	s17 =	simm.s32 $0x500  }
0x5b: {  	[tilespmem:s17], [sflag:$0x9] =	stream.linear.gather [hbm4b:s16+s14], $0x80, $0x38;
	[tilespmem:$0x1F4C0] =	vst v63  }
0x5c: {  	s16 =	rddreg [dreg:$0xa];
	s17 =	simm.s32 $0x180  }
0x5d: {  	[tilespmem:s17], [sflag:$0xA] =	stream.linear.gather [hbm4b:s16+s14], $0x80, $0x38;
	[tilespmem:$0x1F4C0] =	vst v63  }
0x5e: {  	s16 =	rddreg [dreg:$0xb];
	s17 =	simm.s32 $0x580  }
0x5f: {  	[tilespmem:s17], [sflag:$0xA] =	stream.linear.gather [hbm4b:s16+s14], $0x80, $0x38;
	[tilespmem:$0x1F4C0] =	vst v63  }
0x60: {  	s16 =	rddreg [dreg:$0xc];
	s17 =	simm.s32 $0x200  }
0x61: {  	[tilespmem:s17], [sflag:$0xB] =	stream.linear.gather [hbm4b:s16+s14], $0x80, $0x38;
	[tilespmem:$0x1F4C0] =	vst v63  }
0x62: {  	s16 =	rddreg [dreg:$0xd];
	s17 =	simm.s32 $0x600  }
0x63: {  	[tilespmem:s17], [sflag:$0xB] =	stream.linear.gather [hbm4b:s16+s14], $0x80, $0x38;
	[tilespmem:$0x1F4C0] =	vst v63  }
0x64: {  	s17 =	simm.s32 $0x7  }
0x65: {  	_ =	swait.ge [sflag:s17], $0x80  }
0x66: {  	[sflag:s17] =	ssyncset.done $0x0  }
0x67: {  	[sflag:s17] =	ssyncadd.s32 $0xFFFFFF80  }
0x68: {  	_ =	swait.ge [sflag:s17], $0x80  }
0x69: {  	[sflag:s17] =	ssyncset.done $0x0  }
0x6a: {  	[sflag:s17] =	ssyncadd.s32 $0xFFFFFF80  }
0x6b: {  	[tilespmem:s12], [sflag:$0x1] =	stream.indirect.gather [hbm4b:s1+s11], $0x80, s14, s11, $0xb8;
	[tilespmem:$0x1F4C0] =	vst v63  }
0x6c: {  	_ =	swait.ge [sflag:s13], $0x80  }
0x6d: {  	[sflag:s13] =	ssyncset.done $0x0  }
0x6e: {  	[sflag:s13] =	ssyncadd.s32 $0xFFFFFF80  }
0x6f: {  	_ =	swait.ge [sflag:s13], $0x80  }
0x70: {  	[sflag:s13] =	ssyncset.done $0x0  }
0x71: {  	s9 =	simm.s32 $0x0;
	[sflag:s13] =	ssyncadd.s32 $0xFFFFFF80  }
0x72: {  	[tilespmem:s24], [sflag:$0x2] =	stream.indirect.gather [hbm4b:s1+s11], $0x80, s15, s11, $0xb8;
	[tilespmem:$0x1F4C0] =	vst v63  }
.LBB2_2:
0x73: {  	p1 =	seq.s32 s9, $0x0  }
0x74: {  	s14 =	simm.s32 @!p1 $0x6  }
0x75: {  	_ =	swait.ge @!p1 [sflag:s14], $0x3C00  }
0x76: {  	s15 =	sadd.s32 s9, s19;
	s16 =	simm.s32 $0x0;
	[sflag:s14] =	ssyncset.done @!p1 $0x0  }
0x77: {  	s17 =	sadd.s32 s9, s18;
	s15 =	sadd.s32 $0x10, s15;
	[sflag:s14] =	ssyncadd.s32 @!p1 $0xFFFFC400  }
0x78: {  	[tilespmem:s25], [sflag:$0xC] =	stream.linear.gather [hbm4b:s15+s16], $0x80, $0x38;
	[tilespmem:$0x1F4C0] =	vst v63  }
0x79: {  	s14 =	sadd.s32 $0x10, s17  }
0x7a: {  	[tilespmem:s26], [sflag:$0xC] =	stream.linear.gather [hbm4b:s14+s16], $0x80, $0x38;
	[tilespmem:$0x1F4C0] =	vst v63  }
0x7b: {  	_ =	swait.ge [sflag:s28], $0x3C00  }
0x7c: {  	[sflag:s28] =	ssyncset.done $0x0  }
0x7d: {  	s15 =	simm.s32 $0x400;
	[sflag:s28] =	ssyncadd.s32 $0xFFFFC400  }
0x7e: {  	[spmem:s22] =	stream.indirect.scatter.add.f32 [tilespmem:s12], [sflag:$0x4], $0x80, s15, s11, $0xb8;
	[tilespmem:$0x1F4C0] =	vst v63  }
0x7f: {  	_ =	swait.ge [sflag:s29], $0x80  }
0x80: {  	[sflag:s29] =	ssyncset.done $0x0  }
0x81: {  	[sflag:s29] =	ssyncadd.s32 $0xFFFFFF80  }
0x82: {  	_ =	swait.ge [sflag:s29], $0x80  }
0x83: {  	[sflag:s29] =	ssyncset.done $0x0  }
0x84: {  	s16 =	simm.s32 $0x100;
	[sflag:s29] =	ssyncadd.s32 $0xFFFFFF80  }
0x85: {  	[tilespmem:s30], [sflag:$0x3] =	stream.indirect.gather [hbm4b:s1+s11], $0x80, s16, s11, $0xb8;
	[tilespmem:$0x1F4C0] =	vst v63  }
0x86: {  	_ =	swait.ge [sflag:s10], $0x3C00  }
0x87: {  	p1 =	seq.s32 s9, $0x4E0;
	[sflag:s10] =	ssyncset.done $0x0  }
0x88: {  	s14 =	simm.s32 @!p1 $0x0;
	s15 =	sadd.s32 @!p1 s9, s23;
	[sflag:s10] =	ssyncadd.s32 $0xFFFFC400  }
0x89: {  	[tilespmem:s14], [sflag:$0x7] =	stream.linear.gather @!p1 [hbm4b:s15+s14], $0x80, $0x38;
	[tilespmem:$0x1F4C0] =	vst v63  }
0x8a: {  	s15 =	rddreg [dreg:$0x11]  }
0x8b: {  	s16 =	simm.s32 @!p1 $0x400;
	s15 =	sadd.s32 @!p1 s9, s15  }
0x8c: {  	[tilespmem:s16], [sflag:$0x7] =	stream.linear.gather @!p1 [hbm4b:s15+s14], $0x80, $0x38;
	[tilespmem:$0x1F4C0] =	vst v63  }
0x8d: {  	_ =	swait.ge [sflag:s0], $0x3C00  }
0x8e: {  	[sflag:s0] =	ssyncset.done $0x0  }
0x8f: {  	s17 =	simm.s32 $0x480;
	[sflag:s0] =	ssyncadd.s32 $0xFFFFC400  }
0x90: {  	[spmem:s22] =	stream.indirect.scatter.add.f32 [tilespmem:s24], [sflag:$0x5], $0x80, s17, s11, $0xb8;
	[tilespmem:$0x1F4C0] =	vst v63  }
0x91: {  	_ =	swait.ge [sflag:s3], $0x80  }
0x92: {  	[sflag:s3] =	ssyncset.done $0x0  }
0x93: {  	[sflag:s3] =	ssyncadd.s32 $0xFFFFFF80  }
0x94: {  	_ =	swait.ge [sflag:s3], $0x80  }
0x95: {  	[sflag:s3] =	ssyncset.done $0x0  }
0x96: {  	s16 =	simm.s32 $0x180;
	[sflag:s3] =	ssyncadd.s32 $0xFFFFFF80  }
0x97: {  	[tilespmem:s12], [sflag:$0x1] =	stream.indirect.gather [hbm4b:s1+s11], $0x80, s16, s11, $0xb8;
	[tilespmem:$0x1F4C0] =	vst v63  }
0x98: {  	_ =	swait.ge [sflag:s4], $0x3C00  }
0x99: {  	s15 =	sadd.s32 @!p1 s9, s19;
	[sflag:s4] =	ssyncset.done $0x0  }
0x9a: {  	s15 =	sadd.s32 @!p1 $0x30, s15;
	s16 =	simm.s32 @!p1 $0x80;
	[sflag:s4] =	ssyncadd.s32 $0xFFFFC400  }
0x9b: {  	[tilespmem:s16], [sflag:$0x8] =	stream.linear.gather @!p1 [hbm4b:s15+s14], $0x80, $0x38;
	[tilespmem:$0x1F4C0] =	vst v63  }
0x9c: {  	s15 =	sadd.s32 @!p1 s9, s18  }
0x9d: {  	s16 =	simm.s32 @!p1 $0x480;
	s15 =	sadd.s32 @!p1 $0x30, s15  }
0x9e: {  	[tilespmem:s16], [sflag:$0x8] =	stream.linear.gather @!p1 [hbm4b:s15+s14], $0x80, $0x38;
	[tilespmem:$0x1F4C0] =	vst v63  }
0x9f: {  	_ =	swait.ge [sflag:s5], $0x3C00  }
0xa0: {  	[sflag:s5] =	ssyncset.done $0x0  }
0xa1: {  	s17 =	simm.s32 $0x500;
	[sflag:s5] =	ssyncadd.s32 $0xFFFFC400  }
0xa2: {  	[spmem:s22] =	stream.indirect.scatter.add.f32 [tilespmem:s30], [sflag:$0x6], $0x80, s17, s11, $0xb8;
	[tilespmem:$0x1F4C0] =	vst v63  }
0xa3: {  	_ =	swait.ge [sflag:s6], $0x80  }
0xa4: {  	[sflag:s6] =	ssyncset.done $0x0  }
0xa5: {  	[sflag:s6] =	ssyncadd.s32 $0xFFFFFF80  }
0xa6: {  	_ =	swait.ge [sflag:s6], $0x80  }
0xa7: {  	[sflag:s6] =	ssyncset.done $0x0  }
0xa8: {  	s16 =	simm.s32 $0x200;
	[sflag:s6] =	ssyncadd.s32 $0xFFFFFF80  }
0xa9: {  	[tilespmem:s24], [sflag:$0x2] =	stream.indirect.gather [hbm4b:s1+s11], $0x80, s16, s11, $0xb8;
	[tilespmem:$0x1F4C0] =	vst v63  }
0xaa: {  	_ =	swait.ge [sflag:s7], $0x3C00  }
0xab: {  	[sflag:s7] =	ssyncset.done $0x0  }
0xac: {  	s15 =	sadd.s32 @!p1 s9, s21;
	s16 =	simm.s32 @!p1 $0x100;
	[sflag:s7] =	ssyncadd.s32 $0xFFFFC400  }
0xad: {  	[tilespmem:s16], [sflag:$0x9] =	stream.linear.gather @!p1 [hbm4b:s15+s14], $0x80, $0x38;
	[tilespmem:$0x1F4C0] =	vst v63  }
0xae: {  	s15 =	sadd.s32 @!p1 s9, s2;
	s16 =	simm.s32 @!p1 $0x500  }
0xaf: {  	[tilespmem:s16], [sflag:$0x9] =	stream.linear.gather @!p1 [hbm4b:s15+s14], $0x80, $0x38;
	[tilespmem:$0x1F4C0] =	vst v63  }
0xb0: {  	_ =	swait.ge [sflag:s28], $0x3C00  }
0xb1: {  	[sflag:s28] =	ssyncset.done $0x0  }
0xb2: {  	s17 =	simm.s32 $0x580;
	[sflag:s28] =	ssyncadd.s32 $0xFFFFC400  }
0xb3: {  	[spmem:s22] =	stream.indirect.scatter.add.f32 [tilespmem:s12], [sflag:$0x4], $0x80, s17, s11, $0xb8;
	[tilespmem:$0x1F4C0] =	vst v63  }
0xb4: {  	_ =	swait.ge [sflag:s8], $0x80  }
0xb5: {  	[sflag:s8] =	ssyncset.done $0x0  }
0xb6: {  	[sflag:s8] =	ssyncadd.s32 $0xFFFFFF80  }
0xb7: {  	_ =	swait.ge [sflag:s8], $0x80  }
0xb8: {  	[sflag:s8] =	ssyncset.done $0x0  }
0xb9: {  	[sflag:s8] =	ssyncadd.s32 $0xFFFFFF80  }
0xba: {  	[tilespmem:s30], [sflag:$0x3] =	stream.indirect.gather [hbm4b:s1+s11], $0x80, s25, s11, $0xb8;
	[tilespmem:$0x1F4C0] =	vst v63  }
0xbb: {  	_ =	swait.ge [sflag:s10], $0x3C00  }
0xbc: {  	[sflag:s10] =	ssyncset.done $0x0  }
0xbd: {  	s15 =	simm.s32 @p1 $0x2;
	[sflag:s10] =	ssyncadd.s32 $0xFFFFC400  }
0xbe: {  	_ =	swait.ge @p1 [sflag:s15], $0x3C00  }
0xbf: {  	s16 =	simm.s32 @p1 $0x600;
	[sflag:s15] =	ssyncset.done @p1 $0x0  }
0xc0: {  	s17 =	simm.s32 @p1 $0x4400;
	[sflag:s15] =	ssyncadd.s32 @p1 $0xFFFFC400;
	s15 =	simm.s32 @p1 $0x78  }
0xc1: {  	[spmem:s22] =	stream.indirect.scatter.add.f32 @p1 [tilespmem:s17], [sflag:$0x5], $0x80, s16, s15, $0xb8;
	[tilespmem:$0x1F4C0] =	vst v63  }
0xc2: {  	s15 =	simm.s32 @p1 $0x5  }
0xc3: {  	_ =	swait.ge @p1 [sflag:s15], $0x3C00  }
0xc4: {  	[sflag:s15] =	ssyncset.done @p1 $0x0  }
0xc5: {  	s16 =	simm.s32 @!p1 $0x180;
	[sflag:s15] =	ssyncadd.s32 @p1 $0xFFFFC400;
	s15 =	sadd.s32 @!p1 s9, s20  }
0xc6: {  	[tilespmem:s16], [sflag:$0xA] =	stream.linear.gather @!p1 [hbm4b:s15+s14], $0x80, $0x38;
	[tilespmem:$0x1F4C0] =	vst v63  }
0xc7: {  	s15 =	sadd.s32 @!p1 s9, s31;
	s16 =	simm.s32 @!p1 $0x580  }
0xc8: {  	[tilespmem:s16], [sflag:$0xA] =	stream.linear.gather @!p1 [hbm4b:s15+s14], $0x80, $0x38;
	[tilespmem:$0x1F4C0] =	vst v63  }
0xc9: {  	s15 =	simm.s32 @!p1 $0x2  }
0xca: {  	_ =	swait.ge @!p1 [sflag:s15], $0x3C00  }
0xcb: {  	s17 =	simm.s32 @!p1 $0x4400;
	[sflag:s15] =	ssyncset.done @!p1 $0x0  }
0xcc: {  	s16 =	simm.s32 @!p1 $0x600;
	[sflag:s15] =	ssyncadd.s32 @!p1 $0xFFFFC400;
	s15 =	simm.s32 @!p1 $0x78  }
0xcd: {  	[spmem:s22] =	stream.indirect.scatter.add.f32 @!p1 [tilespmem:s17], [sflag:$0x5], $0x80, s16, s15, $0xb8;
	[tilespmem:$0x1F4C0] =	vst v63  }
0xce: {  	s17 =	simm.s32 @!p1 $0x7  }
0xcf: {  	_ =	swait.ge @!p1 [sflag:s17], $0x80  }
0xd0: {  	[sflag:s17] =	ssyncset.done @!p1 $0x0  }
0xd1: {  	[sflag:s17] =	ssyncadd.s32 @!p1 $0xFFFFFF80  }
0xd2: {  	_ =	swait.ge @!p1 [sflag:s17], $0x80  }
0xd3: {  	[sflag:s17] =	ssyncset.done @!p1 $0x0  }
0xd4: {  	[sflag:s17] =	ssyncadd.s32 @!p1 $0xFFFFFF80;
	s17 =	simm.s32 @!p1 $0x800  }
0xd5: {  	[tilespmem:s17], [sflag:$0x1] =	stream.indirect.gather @!p1 [hbm4b:s1+s15], $0x80, s14, s15, $0xb8;
	[tilespmem:$0x1F4C0] =	vst v63  }
0xd6: {  	s15 =	simm.s32 @!p1 $0x5  }
0xd7: {  	_ =	swait.ge @!p1 [sflag:s15], $0x3C00  }
0xd8: {  	[sflag:s15] =	ssyncset.done @!p1 $0x0  }
0xd9: {  	[sflag:s15] =	ssyncadd.s32 @!p1 $0xFFFFC400;
	s15 =	rddreg [dreg:$0x10]  }
0xda: {  	s17 =	simm.s32 @!p1 $0x200;
	s15 =	sadd.s32 @!p1 s9, s15  }
0xdb: {  	[tilespmem:s17], [sflag:$0xB] =	stream.linear.gather @!p1 [hbm4b:s15+s14], $0x80, $0x38;
	[tilespmem:$0x1F4C0] =	vst v63  }
0xdc: {  	s15 =	rddreg [dreg:$0xf]  }
0xdd: {  	s15 =	sadd.s32 @!p1 s9, s15  }
0xde: {  	[tilespmem:s16], [sflag:$0xB] =	stream.linear.gather @!p1 [hbm4b:s15+s14], $0x80, $0x38;
	[tilespmem:$0x1F4C0] =	vst v63  }
.Ltmp2:
0xdf: {  	_ = 	snop;
	(pc) =	sbr.rel @p1 .LBB2_4-.Ltmp2, $4  }
0xe0: {  	_ =	swait.ge [sflag:s5], $0x3C00  }
0xe1: {  	[sflag:s5] =	ssyncset.done $0x0  }
0xe2: {  	[sflag:s5] =	ssyncadd.s32 $0xFFFFC400  }
0xe3: {  	[spmem:s22] =	stream.indirect.scatter.add.f32 [tilespmem:s30], [sflag:$0x6], $0x80, s26, s11, $0xb8;
	[tilespmem:$0x1F4C0] =	vst v63  }
0xe4: {  	_ =	swait.ge [sflag:s13], $0x80  }
0xe5: {  	[sflag:s13] =	ssyncset.done $0x0  }
.Ltmp3:
0xe6: {  	[sflag:s13] =	ssyncadd.s32 $0xFFFFFF80;
	(pc) =	sbr.rel .LBB2_2-.Ltmp3, $4  }
0xe7: {  	_ =	swait.ge [sflag:s13], $0x80  }
0xe8: {  	[sflag:s13] =	ssyncset.done $0x0  }
0xe9: {  	s14 =	simm.s32 $0x80;
	s9 =	sadd.s32 $0x60, s9;
	[sflag:s13] =	ssyncadd.s32 $0xFFFFFF80  }
0xea: {  	[tilespmem:s24], [sflag:$0x2] =	stream.indirect.gather [hbm4b:s1+s11], $0x80, s14, s11, $0xb8;
	[tilespmem:$0x1F4C0] =	vst v63  }
.LBB2_5:
0xeb: {  	_ =	sfence.sel $0x180000  }
0xec: {  	[bflag:$0x0] =	sbarrier.arrive $0xFFFF  }
0xed: {  	_ =	strace $0x90000047  }
0xee: {  	s0 =	stileid.u32;
	[bflag:$0x2] =	sbarrier.arrive $0xFFFF  }
0xef: {  	p0 =	sne.s32 s0, $0x0;
	s0 =	rddreg [dreg:$0x3]  }
0xf0: {  	s0 =	sadd.s32 @!p0 $0x100000, s0  }
0xf1: {  	[sflag:s0] =	ssyncadd.tile.s32 @!p0 $0x1;
	_ =	shalt  }
.Lfunc_end2:
_tile_overlayer_lowered:
.L_overlay_start_2:
0xf2: {  	(tag) =	ssettag $0x2  }
0xf3: {  	s0 =	rddreg [dreg:$0x0];
	s2 =	stileid.u32  }
0xf4: {  	s1 =	rddreg [dreg:$0x1];
	p0 =	sne.s32 s2, $0x0  }
0xf5: {  	s3 =	rddreg [dreg:$0x2];
	[bflag:$0x3] =	sbarrier.arrive $0xFFFF;
	s2 =	simm.s32 @!p0 $0x1C0D  }
0xf6: {  	[timem:s3], [sflag:s2] =	dma.local @!p0 [hbm:s0], s1  }
0xf7: {  	s0 =	simm.s32 @!p0 $0xD  }
0xf8: {  	_ =	swait.ge @!p0 [sflag:s0], s1  }
0xf9: {  	s1 =	ssub.s32 @!p0 $0x0, s1;
	[sflag:s0] =	ssyncset.done @!p0 $0x0  }
0xfa: {  	[sflag:s0] =	ssyncadd.s32 @!p0 s1  }
0xfb: {  	[bflag:$0x3] =	sbarrier.arrive $0xFFFF  }
0xfc: {  	_ =	shalt  }

</sc_bundles>
